<compile_context>
chip_gen: v7x
topology: tpu7x:2x2x1
jax: 0.10.2.dev20260603
libtpu: 0.0.44.dev20260713+nightly
codegen_flags: <defaults>
</compile_context>

<pallas_src>
import functools
import math

import jax
import jax.numpy as jnp
from jax import lax
from jax.experimental import pallas as pl
from jax.experimental.pallas import tpu as pltpu
from jax.experimental.pallas import tpu_sc as plsc

N_ATOMS = 50000
N_EDGES = 800000
NSP = 4
NMAX = 4
LMAX = 3
RC = 5.0
SMOOTH = 0.5
START = RC - SMOOTH

NC = 2
NS = 16
NW = NC * NS

ASUB = 256
SW_PER_W = 7
NSW = NW * SW_PER_W
RSTRIDE = 65
NROWS = ASUB * NSP
ROWS = NROWS * RSTRIDE
DUMP = ROWS
ACC_LEN = ROWS + 128

OUT_LEN = N_ATOMS * NSP * 64
FULL_W = N_ATOMS // ASUB
REM_LEN = (N_ATOMS - FULL_W * ASUB) * NSP * 64

LS = 61
CHUNK = 16 * LS
EMAX = N_EDGES - CHUNK
NZP = 3200
NB = 256

S3 = -1.0 / 6.0
S5 = 1.0 / 120.0
S7 = -1.0 / 5040.0
S9 = 1.0 / 362880.0
S11 = -1.0 / 39916800.0

_PI4 = 4.0 * math.pi
C0 = 0.5 * math.sqrt(1.0 / math.pi)
C1 = math.sqrt(3.0 / _PI4)
C4 = math.sqrt(15.0 / _PI4)
C6 = math.sqrt(5.0 / (16.0 * math.pi))
C8 = math.sqrt(15.0 / (16.0 * math.pi))
C9 = math.sqrt(35.0 / (32.0 * math.pi))
C10 = math.sqrt(105.0 / _PI4)
C11 = math.sqrt(21.0 / (32.0 * math.pi))
C12 = math.sqrt(7.0 / (16.0 * math.pi))
C14 = math.sqrt(105.0 / (16.0 * math.pi))

MU1 = RC / 3.0
MU2 = 2.0 * RC / 3.0


def _sc_body(r_hbm, x_hbm, y_hbm, zd_hbm, ii_hbm, jj_hbm, zp_hbm, bnd_hbm,
             out_hbm, acc, rbuf, xbuf, ybuf, zdbuf, iibuf, jjbuf, zpbuf,
             bbuf, sem):
  cid = lax.axis_index("c")
  sid = lax.axis_index("s")
  wid = sid * NC + cid

  pltpu.sync_copy(zp_hbm, zpbuf)
  pltpu.sync_copy(bnd_hbm, bbuf)

  lstride = lax.iota(jnp.int32, 16) * LS
  zero16 = jnp.zeros((16,), jnp.float32)

  def window_body(s, _):
    swid = wid + NW * s
    base_atom = swid * ASUB
    bwin = bbuf[pl.ds(swid, 16)]
    estart = bwin[0]
    eend = bwin[1]

    def zero_body(i, _):
      for k in range(8):
        acc[pl.ds(i * 128 + k * 16, 16)] = zero16
      return 0

    lax.fori_loop(0, ACC_LEN // 128, zero_body, 0)

    cstart = lax.bitwise_and(estart, jnp.int32(-8))
    total = eend - cstart
    nch = lax.div(total + jnp.int32(CHUNK - 1), jnp.int32(CHUNK))

    def chunk_body(k, _):
      roff = cstart + k * CHUNK
      off = pl.multiple_of(jnp.minimum(roff, EMAX), 8)
      lo = jnp.maximum(estart, roff)
      hi = jnp.minimum(eend, roff + CHUNK)
      dsl = pl.ds(off, CHUNK)
      c0 = pltpu.async_copy(r_hbm.at[dsl], rbuf, sem)
      c1 = pltpu.async_copy(x_hbm.at[dsl], xbuf, sem)
      c2 = pltpu.async_copy(y_hbm.at[dsl], ybuf, sem)
      c3 = pltpu.async_copy(zd_hbm.at[dsl], zdbuf, sem)
      c4 = pltpu.async_copy(ii_hbm.at[dsl], iibuf, sem)
      c5 = pltpu.async_copy(jj_hbm.at[dsl], jjbuf, sem)
      c0.wait(); c1.wait(); c2.wait(); c3.wait(); c4.wait(); c5.wait()

      def group_body(g, _):
        ev = g + lstride
        rv = plsc.load_gather(rbuf, [ev])
        xv = plsc.load_gather(xbuf, [ev])
        yv = plsc.load_gather(ybuf, [ev])
        zv = plsc.load_gather(zdbuf, [ev])
        iiv = plsc.load_gather(iibuf, [ev])
        jjv = plsc.load_gather(jjbuf, [ev])

        widx = lax.shift_right_logical(jjv, 4)
        word = plsc.load_gather(zpbuf, [widx])
        shift = lax.shift_left(lax.bitwise_and(jjv, 15), 1)
        sp = lax.bitwise_and(lax.shift_right_logical(word, shift), 3)

        gi = off + ev
        valid = lax.bitwise_and(gi >= lo, gi < hi)
        rowb = ((iiv - base_atom) * NSP + sp) * RSTRIDE
        rowb = jnp.where(valid, rowb, DUMP)

        t = jnp.clip((rv - START) * (1.0 / SMOOTH), 0.0, 1.0)
        u = (t - 0.5) * math.pi
        u2 = u * u
        sinu = u * (1.0 + u2 * (S3 + u2 * (S5 + u2 * (S7 + u2 * (S9 + u2 * S11)))))
        mid = 0.5 - 0.5 * sinu
        fc = jnp.where(rv < START, 1.0, jnp.where(rv < RC, mid, 0.0))

        q = jnp.maximum(rv * (1.0 / RC), 1e-6)
        w0 = fc
        w1 = fc * q
        w2 = w1 * q
        w3 = w2 * q
        d1 = rv - MU1
        d2 = rv - MU2
        d3 = rv - RC
        e0 = jnp.exp(-2.0 * (rv * rv))
        e1 = jnp.exp(-2.0 * (d1 * d1))
        e2 = jnp.exp(-2.0 * (d2 * d2))
        e3 = jnp.exp(-2.0 * (d3 * d3))

        x2 = xv * xv
        y2 = yv * yv
        z2 = zv * zv
        xy = xv * yv
        a0 = w0 * C0
        a1 = (w1 * C1) * yv
        a2 = (w1 * C1) * zv
        a3 = (w1 * C1) * xv
        a4 = (w2 * C4) * xy
        a5 = (w2 * C4) * (yv * zv)
        a6 = (w2 * C6) * (3.0 * z2 - 1.0)
        a7 = (w2 * C4) * (xv * zv)
        a8 = (w2 * C8) * (x2 - y2)
        a9 = (w3 * C9) * (yv * (3.0 * x2 - y2))
        a10 = (w3 * C10) * (xy * zv)
        a11 = (w3 * C11) * (yv * (5.0 * z2 - 1.0))
        a12 = (w3 * C12) * ((5.0 * z2 - 3.0) * zv)
        a13 = (w3 * C11) * (xv * (5.0 * z2 - 1.0))
        a14 = (w3 * C14) * (zv * (x2 - y2))
        a15 = (w3 * C9) * (xv * (x2 - 3.0 * y2))
        am = (a0, a1, a2, a3, a4, a5, a6, a7,
              a8, a9, a10, a11, a12, a13, a14, a15)
        en = (e0, e1, e2, e3)

        for n in range(NMAX):
          for m in range(16):
            plsc.addupdate_scatter(acc, [rowb + (n * 16 + m)], en[n] * am[m])
        return 0

      lax.fori_loop(0, LS, group_body, 0)
      return 0

    lax.fori_loop(0, nch, chunk_body, 0)

    def compact_body(rr, _):
      src = rr * RSTRIDE
      dst = rr * 64
      for k in range(4):
        acc[pl.ds(dst + 16 * k, 16)] = acc[pl.ds(src + 16 * k, 16)]
      return 0

    lax.fori_loop(0, NROWS, compact_body, 0)

    @pl.when(swid < FULL_W)
    def _():
      pltpu.sync_copy(acc.at[pl.ds(0, NROWS * 64)],
                      out_hbm.at[pl.ds(swid * (NROWS * 64), NROWS * 64)])

    @pl.when(swid == FULL_W)
    def _():
      pltpu.sync_copy(acc.at[pl.ds(0, REM_LEN)],
                      out_hbm.at[pl.ds(FULL_W * (NROWS * 64), REM_LEN)])

    return 0

  lax.fori_loop(0, SW_PER_W, window_body, 0)


@jax.jit
def _run(r, x, y, zd, ii, jj, zp, bnd):
  mesh = plsc.VectorSubcoreMesh(core_axis_name="c", subcore_axis_name="s",
                                num_cores=NC, num_subcores=NS)
  f = functools.partial(
      pl.kernel, mesh=mesh,
      compiler_params=pltpu.CompilerParams(needs_layout_passes=False),
      out_type=jax.ShapeDtypeStruct((OUT_LEN,), jnp.float32),
      scratch_types=[
          pltpu.VMEM((ACC_LEN,), jnp.float32),
          pltpu.VMEM((CHUNK,), jnp.float32),
          pltpu.VMEM((CHUNK,), jnp.float32),
          pltpu.VMEM((CHUNK,), jnp.float32),
          pltpu.VMEM((CHUNK,), jnp.float32),
          pltpu.VMEM((CHUNK,), jnp.int32),
          pltpu.VMEM((CHUNK,), jnp.int32),
          pltpu.VMEM((NZP,), jnp.int32),
          pltpu.VMEM((NB,), jnp.int32),
          pltpu.SemaphoreType.DMA,
      ],
  )(_sc_body)
  return f(r, x, y, zd, ii, jj, zp, bnd)


def kernel(distances, direction_vectors, idx_i, idx_j, z):
  r = distances[:, 0]
  x = direction_vectors[:, 0]
  y = direction_vectors[:, 1]
  zd = direction_vectors[:, 2]
  ii = idx_i.astype(jnp.int32)
  jj = idx_j.astype(jnp.int32)

  spz = ((z >= 6).astype(jnp.int32) + (z >= 7).astype(jnp.int32)
         + (z >= 8).astype(jnp.int32))
  spz = spz.reshape(N_ATOMS // 16, 16)
  shifts = jnp.arange(16, dtype=jnp.int32) * 2
  zp = jnp.sum(spz << shifts[None, :], axis=1).astype(jnp.int32)
  zp = jnp.concatenate([zp, jnp.zeros((NZP - zp.shape[0],), jnp.int32)])

  targets = jnp.arange(NSW + 1, dtype=jnp.int32) * ASUB
  bnd = jnp.searchsorted(idx_i, targets).astype(jnp.int32)
  bnd = jnp.concatenate([bnd, jnp.full((NB - NSW - 1,), N_EDGES, jnp.int32)])

  out = _run(r, x, y, zd, ii, jj, zp, bnd)
  return out.reshape(N_ATOMS, NSP, NMAX, (LMAX + 1) ** 2)

# --- scband reference (transcript-rebuilt; emitter-appended) ---
"""Pipeline reference for scband-spherical-expansion-33535104647552 (READ-ONLY COPY).

The authoritative reference and input builder live on the scoring server;
editing this copy changes nothing except your own understanding.
"""

import jax, jax.numpy as jnp
import numpy as np

NMAX = 4; LMAX = 3; RC = 5.0; SIGMA = 0.5; SMOOTH = 0.5
SPECIES = np.array([1, 6, 7, 8], dtype=np.int32)
NSP = 4
N_ATOMS = 50000
N_EDGES = 800000
_sp2idx = -np.ones(int(SPECIES.max()) + 1, dtype=np.int32)
for _i, _s in enumerate(SPECIES):
    _sp2idx[int(_s)] = _i
SP2IDX = jnp.asarray(_sp2idx)


def shifted_cosine_cutoff(r):
    # r: [E] -> [E]; 1 below rc-smooth, shifted cosine in [rc-smooth, rc], 0 beyond.
    start = RC - SMOOTH
    t = jnp.clip((r - start) / SMOOTH, 0.0, 1.0)
    mid = 0.5 * (jnp.cos(jnp.pi * t) + 1.0)
    return jnp.where(r < start, 1.0, jnp.where(r < RC, mid, 0.0))


def radial_integrals(r):
    # Smooth radial integral surrogate for splined_radial_integrals: [E,1] -> [E, LMAX+1, NMAX]
    r1 = r[:, 0]
    mu = jnp.linspace(0.0, RC, NMAX, dtype=r.dtype)
    g = jnp.exp(-0.5 * ((r1[:, None] - mu[None, :]) / SIGMA) ** 2)  # [E, NMAX]
    ls = jnp.arange(LMAX + 1, dtype=r.dtype)
    rl = jnp.clip(r1 / RC, 1e-6, None)[:, None] ** ls[None, :]  # [E, LMAX+1]
    return rl[:, :, None] * g[:, None, :]


def sph_harm(d):
    # Real orthonormal ('integral' normalization) spherical harmonics up to l=3, m=-l..l per block.
    x, y, z = d[:, 0], d[:, 1], d[:, 2]
    pi = np.pi
    Y = [
        jnp.full_like(x, 0.5 * np.sqrt(1.0 / pi)),
        np.sqrt(3.0 / (4 * pi)) * y,
        np.sqrt(3.0 / (4 * pi)) * z,
        np.sqrt(3.0 / (4 * pi)) * x,
        np.sqrt(15.0 / (4 * pi)) * x * y,
        np.sqrt(15.0 / (4 * pi)) * y * z,
        np.sqrt(5.0 / (16 * pi)) * (3 * z ** 2 - 1.0),
        np.sqrt(15.0 / (4 * pi)) * x * z,
        np.sqrt(15.0 / (16 * pi)) * (x ** 2 - y ** 2),
        np.sqrt(35.0 / (32 * pi)) * y * (3 * x ** 2 - y ** 2),
        np.sqrt(105.0 / (4 * pi)) * x * y * z,
        np.sqrt(21.0 / (32 * pi)) * y * (5 * z ** 2 - 1.0),
        np.sqrt(7.0 / (16 * pi)) * (5 * z ** 3 - 3 * z),
        np.sqrt(21.0 / (32 * pi)) * x * (5 * z ** 2 - 1.0),
        np.sqrt(105.0 / (16 * pi)) * z * (x ** 2 - y ** 2),
        np.sqrt(35.0 / (32 * pi)) * x * (x ** 2 - 3 * y ** 2),
    ]
    return jnp.stack(Y, axis=1)  # [E, 16]


def mult_ln_lm(x_ln, x_lm):
    # x_ln: [E, LMAX+1, NMAX]; x_lm: [E, (LMAX+1)^2] -> [E, NMAX, (LMAX+1)^2]
    blocks = []
    idx = 0
    for l in range(LMAX + 1):
        blk = 2 * l + 1
        blocks.append(jnp.einsum('jn,jm->jnm', x_ln[:, l, :], x_lm[:, idx:idx + blk]))
        idx += blk
    return jnp.concatenate(blocks, axis=2)


def setup_inputs(seed: int = 0) -> dict:
    key = jax.random.key(seed)
    k1, k2, k3, k4, k5 = jax.random.split(key, 5)
    distances = jax.random.uniform(k1, (N_EDGES, 1), dtype=jnp.float32, minval=0.1, maxval=RC)
    dv = jax.random.normal(k2, (N_EDGES, 3), dtype=jnp.float32)
    direction_vectors = dv / jnp.linalg.norm(dv, axis=1, keepdims=True)
    idx_i = jnp.sort(jax.random.randint(k3, (N_EDGES,), 0, N_ATOMS))
    idx_j = jax.random.randint(k4, (N_EDGES,), 0, N_ATOMS)
    z = jnp.asarray(SPECIES)[jax.random.randint(k5, (N_ATOMS,), 0, NSP)]
    return {"distances": distances, "direction_vectors": direction_vectors,
            "idx_i": idx_i, "idx_j": idx_j, "z": z}


def reference(distances, direction_vectors, idx_i, idx_j, z):
    Ylm = sph_harm(direction_vectors)                              # [E, 16]
    fc = shifted_cosine_cutoff(distances[:, 0])                    # [E]
    RIln = radial_integrals(distances) * fc[:, None, None]         # [E, LMAX+1, NMAX]
    cij_nlm = mult_ln_lm(RIln, Ylm)                                # [E, NMAX, 16]
    reduction_ids = SP2IDX[z[idx_j]] + NSP * idx_i                 # [E]
    ci_anlm = jax.ops.segment_sum(cij_nlm, reduction_ids, num_segments=NSP * N_ATOMS)
    return ci_anlm.reshape(N_ATOMS, NSP, NMAX, (LMAX + 1) ** 2)

if __name__ == "__main__":
    import jax
    _d = setup_inputs()
    print(jax.jit(kernel)(*tuple(_d.values())))

</pallas_src>

<mosaic_0001>
#map = affine_map<(d0, d1) -> (0)>
module attributes {stable_mosaic.version = 14 : i64} {
  func.func @_sc_body(%arg0: i32, %arg1: i32, %arg2: memref<800000xf32, #tpu.memory_space<hbm>>, %arg3: memref<800000xf32, #tpu.memory_space<hbm>>, %arg4: memref<800000xf32, #tpu.memory_space<hbm>>, %arg5: memref<800000xf32, #tpu.memory_space<hbm>>, %arg6: memref<800000xi32, #tpu.memory_space<hbm>>, %arg7: memref<800000xi32, #tpu.memory_space<hbm>>, %arg8: memref<3200xi32, #tpu.memory_space<hbm>>, %arg9: memref<256xi32, #tpu.memory_space<hbm>>, %arg10: memref<12800000xf32, #tpu.memory_space<hbm>>, %arg11: memref<66688xf32, #tpu.memory_space<vmem>>, %arg12: memref<976xf32, #tpu.memory_space<vmem>>, %arg13: memref<976xf32, #tpu.memory_space<vmem>>, %arg14: memref<976xf32, #tpu.memory_space<vmem>>, %arg15: memref<976xf32, #tpu.memory_space<vmem>>, %arg16: memref<976xi32, #tpu.memory_space<vmem>>, %arg17: memref<976xi32, #tpu.memory_space<vmem>>, %arg18: memref<3200xi32, #tpu.memory_space<vmem>>, %arg19: memref<256xi32, #tpu.memory_space<vmem>>, %arg20: memref<!tpu.dma_semaphore, #tpu.memory_space<semaphore_mem>>) attributes {dimension_semantics = [#tpu.dimension_semantics<core_parallel>, #tpu.dimension_semantics<subcore_parallel>], iteration_bounds = array<i64: 2, 16>, scalar_prefetch = 0 : i64, scratch_operands = 10 : i64, tpu.core_type = #tpu.core_type<sc_vector_subcore>, window_params = [{transform_indices = #map}, {transform_indices = #map}, {transform_indices = #map}, {transform_indices = #map}, {transform_indices = #map}, {transform_indices = #map}, {transform_indices = #map}, {transform_indices = #map}, {transform_indices = #map}]} {
    %mul3A = arith.constant 2 : i32
    %mul3A_0 = arith.muli %arg1, %mul3A : i32
    %add3A = arith.addi %mul3A_0, %arg0 : i32
    "tpu.region"() ({
      %run_scoped3A = tpu.sem_alloc : memref<!tpu.dma_semaphore, #tpu.memory_space<semaphore_mem>>
      tpu.enqueue_dma source(%arg8 : memref<3200xi32, #tpu.memory_space<hbm>>) target(%arg18 : memref<3200xi32, #tpu.memory_space<vmem>>) target_semaphore(%run_scoped3A : memref<!tpu.dma_semaphore, #tpu.memory_space<semaphore_mem>>)
      tpu.wait_dma2 semaphore(%run_scoped3A : memref<!tpu.dma_semaphore, #tpu.memory_space<semaphore_mem>>) src(%arg8 : memref<3200xi32, #tpu.memory_space<hbm>>) dst(%arg18 : memref<3200xi32, #tpu.memory_space<vmem>>)
      tpu.yield
    }) : () -> ()
    "tpu.region"() ({
      %run_scoped3A = tpu.sem_alloc : memref<!tpu.dma_semaphore, #tpu.memory_space<semaphore_mem>>
      tpu.enqueue_dma source(%arg9 : memref<256xi32, #tpu.memory_space<hbm>>) target(%arg19 : memref<256xi32, #tpu.memory_space<vmem>>) target_semaphore(%run_scoped3A : memref<!tpu.dma_semaphore, #tpu.memory_space<semaphore_mem>>)
      tpu.wait_dma2 semaphore(%run_scoped3A : memref<!tpu.dma_semaphore, #tpu.memory_space<semaphore_mem>>) src(%arg9 : memref<256xi32, #tpu.memory_space<hbm>>) dst(%arg19 : memref<256xi32, #tpu.memory_space<vmem>>)
      tpu.yield
    }) : () -> ()
    %iota3A = tpu.iota {dimensions = array<i32: 0>} : vector<16xi32>
    %mul3A_1 = arith.constant 61 : i32
    %mul3A_2 = vector.broadcast %mul3A_1 : i32 to vector<16xi32>
    %mul3A_3 = arith.muli %iota3A, %mul3A_2 : vector<16xi32>
    %broadcast_in_dim3A = arith.constant 0.000000e+00 : f32
    %broadcast_in_dim3A_4 = vector.broadcast %broadcast_in_dim3A : f32 to vector<16xf32>
    %scan3A = arith.constant 0 : i32
    %scan3A_5 = arith.constant 0 : i32
    %scan3A_6 = arith.constant 7 : i32
    %scan3A_7 = arith.addi %scan3A_5, %scan3A_6 : i32
    %scan3A_8 = arith.constant 1 : i32
    %scan3A_9 = scf.for %scan3A_11 = %scan3A_5 to %scan3A_7 step %scan3A_8 iter_args(%scan3A_12 = %scan3A) -> (i32)  : i32 {
      %mul3A_13 = arith.constant 32 : i32
      %mul3A_14 = arith.muli %mul3A_13, %scan3A_11 : i32
      %add3A_15 = arith.addi %add3A, %mul3A_14 : i32
      %mul3A_16 = arith.constant 256 : i32
      %mul3A_17 = arith.muli %add3A_15, %mul3A_16 : i32
      %get3A = arith.index_cast %add3A_15 : i32 to index
      %get3A_18 = tpu.vector_load %arg19[%get3A] {strides = array<i32>} : memref<256xi32, #tpu.memory_space<vmem>>, vector<16xi32>,
      %slice3A = vector.extract_strided_slice %get3A_18 {offsets = [0], sizes = [1], strides = [1]} : vector<16xi32> to vector<1xi32>
      %squeeze3A = vector.extract %slice3A[0] : i32 from vector<1xi32>
      %slice3A_19 = vector.extract_strided_slice %get3A_18 {offsets = [1], sizes = [1], strides = [1]} : vector<16xi32> to vector<1xi32>
      %squeeze3A_20 = vector.extract %slice3A_19[0] : i32 from vector<1xi32>
      %scan3A_21 = arith.constant 0 : i32
      %scan3A_22 = arith.constant 0 : i32
      %scan3A_23 = arith.constant 521 : i32
      %scan3A_24 = arith.addi %scan3A_22, %scan3A_23 : i32
      %scan3A_25 = arith.constant 1 : i32
      %scan3A_26 = scf.for %scan3A_57 = %scan3A_22 to %scan3A_24 step %scan3A_25 iter_args(%scan3A_58 = %scan3A_21) -> (i32)  : i32 {
        %mul3A_59 = arith.constant 128 : i32
        %mul3A_60 = arith.muli %scan3A_57, %mul3A_59 : i32
        %add3A_61 = arith.constant 0 : i32
        %add3A_62 = arith.addi %mul3A_60, %add3A_61 : i32
        %swap3A = arith.index_cast %add3A_62 : i32 to index
        %swap3A_63 = tpu.vector_load %arg11[%swap3A] {strides = array<i32>} : memref<66688xf32, #tpu.memory_space<vmem>>, vector<16xf32>,
        tpu.vector_store %arg11[%swap3A], %broadcast_in_dim3A_4 {strides = array<i32>} : memref<66688xf32, #tpu.memory_space<vmem>>, vector<16xf32>,
        %mul3A_64 = arith.constant 128 : i32
        %mul3A_65 = arith.muli %scan3A_57, %mul3A_64 : i32
        %add3A_66 = arith.constant 16 : i32
        %add3A_67 = arith.addi %mul3A_65, %add3A_66 : i32
        %swap3A_68 = arith.index_cast %add3A_67 : i32 to index
        %swap3A_69 = tpu.vector_load %arg11[%swap3A_68] {strides = array<i32>} : memref<66688xf32, #tpu.memory_space<vmem>>, vector<16xf32>,
        tpu.vector_store %arg11[%swap3A_68], %broadcast_in_dim3A_4 {strides = array<i32>} : memref<66688xf32, #tpu.memory_space<vmem>>, vector<16xf32>,
        %mul3A_70 = arith.constant 128 : i32
        %mul3A_71 = arith.muli %scan3A_57, %mul3A_70 : i32
        %add3A_72 = arith.constant 32 : i32
        %add3A_73 = arith.addi %mul3A_71, %add3A_72 : i32
        %swap3A_74 = arith.index_cast %add3A_73 : i32 to index
        %swap3A_75 = tpu.vector_load %arg11[%swap3A_74] {strides = array<i32>} : memref<66688xf32, #tpu.memory_space<vmem>>, vector<16xf32>,
        tpu.vector_store %arg11[%swap3A_74], %broadcast_in_dim3A_4 {strides = array<i32>} : memref<66688xf32, #tpu.memory_space<vmem>>, vector<16xf32>,
        %mul3A_76 = arith.constant 128 : i32
        %mul3A_77 = arith.muli %scan3A_57, %mul3A_76 : i32
        %add3A_78 = arith.constant 48 : i32
        %add3A_79 = arith.addi %mul3A_77, %add3A_78 : i32
        %swap3A_80 = arith.index_cast %add3A_79 : i32 to index
        %swap3A_81 = tpu.vector_load %arg11[%swap3A_80] {strides = array<i32>} : memref<66688xf32, #tpu.memory_space<vmem>>, vector<16xf32>,
        tpu.vector_store %arg11[%swap3A_80], %broadcast_in_dim3A_4 {strides = array<i32>} : memref<66688xf32, #tpu.memory_space<vmem>>, vector<16xf32>,
        %mul3A_82 = arith.constant 128 : i32
        %mul3A_83 = arith.muli %scan3A_57, %mul3A_82 : i32
        %add3A_84 = arith.constant 64 : i32
        %add3A_85 = arith.addi %mul3A_83, %add3A_84 : i32
        %swap3A_86 = arith.index_cast %add3A_85 : i32 to index
        %swap3A_87 = tpu.vector_load %arg11[%swap3A_86] {strides = array<i32>} : memref<66688xf32, #tpu.memory_space<vmem>>, vector<16xf32>,
        tpu.vector_store %arg11[%swap3A_86], %broadcast_in_dim3A_4 {strides = array<i32>} : memref<66688xf32, #tpu.memory_space<vmem>>, vector<16xf32>,
        %mul3A_88 = arith.constant 128 : i32
        %mul3A_89 = arith.muli %scan3A_57, %mul3A_88 : i32
        %add3A_90 = arith.constant 80 : i32
        %add3A_91 = arith.addi %mul3A_89, %add3A_90 : i32
        %swap3A_92 = arith.index_cast %add3A_91 : i32 to index
        %swap3A_93 = tpu.vector_load %arg11[%swap3A_92] {strides = array<i32>} : memref<66688xf32, #tpu.memory_space<vmem>>, vector<16xf32>,
        tpu.vector_store %arg11[%swap3A_92], %broadcast_in_dim3A_4 {strides = array<i32>} : memref<66688xf32, #tpu.memory_space<vmem>>, vector<16xf32>,
        %mul3A_94 = arith.constant 128 : i32
        %mul3A_95 = arith.muli %scan3A_57, %mul3A_94 : i32
        %add3A_96 = arith.constant 96 : i32
        %add3A_97 = arith.addi %mul3A_95, %add3A_96 : i32
        %swap3A_98 = arith.index_cast %add3A_97 : i32 to index
        %swap3A_99 = tpu.vector_load %arg11[%swap3A_98] {strides = array<i32>} : memref<66688xf32, #tpu.memory_space<vmem>>, vector<16xf32>,
        tpu.vector_store %arg11[%swap3A_98], %broadcast_in_dim3A_4 {strides = array<i32>} : memref<66688xf32, #tpu.memory_space<vmem>>, vector<16xf32>,
        %mul3A_100 = arith.constant 128 : i32
        %mul3A_101 = arith.muli %scan3A_57, %mul3A_100 : i32
        %add3A_102 = arith.constant 112 : i32
        %add3A_103 = arith.addi %mul3A_101, %add3A_102 : i32
        %swap3A_104 = arith.index_cast %add3A_103 : i32 to index
        %swap3A_105 = tpu.vector_load %arg11[%swap3A_104] {strides = array<i32>} : memref<66688xf32, #tpu.memory_space<vmem>>, vector<16xf32>,
        tpu.vector_store %arg11[%swap3A_104], %broadcast_in_dim3A_4 {strides = array<i32>} : memref<66688xf32, #tpu.memory_space<vmem>>, vector<16xf32>,
        %scan3A_106 = arith.constant 0 : i32
        scf.yield %scan3A_106 : i32
      }
      %scan3A_27 = arith.constant 521 : i32
      %and3A = arith.constant -8 : i32
      %and3A_28 = arith.andi %squeeze3A, %and3A : i32
      %sub3A = arith.subi %squeeze3A_20, %and3A_28 : i32
      %add3A_29 = arith.constant 975 : i32
      %add3A_30 = arith.addi %sub3A, %add3A_29 : i32
      %div3A = arith.constant 976 : i32
      %div3A_31 = arith.divsi %add3A_30, %div3A : i32
      %while3A = arith.constant 0 : i32
      %while3A_32 = arith.constant 0 : i32
      %while3A_33 = arith.subi %div3A_31, %while3A : i32
      %while3A_34 = arith.addi %while3A, %while3A_33 : i32
      %while3A_35 = arith.constant 1 : i32
      %while3A_36 = arith.divsi %while3A_33, %while3A_35 : i32
      %while3A_37 = arith.muli %while3A_36, %while3A_35 : i32
      %while3A_38 = arith.addi %while3A, %while3A_37 : i32
      %while3A_39 = arith.constant 1 : i32
      %while3A_40 = scf.for %while3A_57 = %while3A to %while3A_38 step %while3A_39 iter_args(%while3A_58 = %while3A_32) -> (i32)  : i32 {
        %mul3A_59 = arith.constant 976 : i32
        %mul3A_60 = arith.muli %while3A_57, %mul3A_59 : i32
        %add3A_61 = arith.addi %and3A_28, %mul3A_60 : i32
        %min3A = arith.constant 799024 : i32
        %min3A_62 = arith.minsi %add3A_61, %min3A : i32
        %multiple_of3A = tpu.assume_multiple %min3A_62, 8 : i32
        %max3A = arith.maxsi %squeeze3A, %add3A_61 : i32
        %add3A_63 = arith.constant 976 : i32
        %add3A_64 = arith.addi %add3A_61, %add3A_63 : i32
        %min3A_65 = arith.minsi %squeeze3A_20, %add3A_64 : i32
        %dma_start3A = tpu.memref_slice %arg2[%multiple_of3A] : memref<800000xf32, #tpu.memory_space<hbm>> -> memref<976xf32, #tpu.memory_space<hbm>>
        %dma_start3A_66 = tpu.memref_slice %arg2[%multiple_of3A] : memref<800000xf32, #tpu.memory_space<hbm>> -> memref<976xf32, #tpu.memory_space<hbm>>
        tpu.enqueue_dma source(%dma_start3A_66 : memref<976xf32, #tpu.memory_space<hbm>>) target(%arg12 : memref<976xf32, #tpu.memory_space<vmem>>) target_semaphore(%arg20 : memref<!tpu.dma_semaphore, #tpu.memory_space<semaphore_mem>>)
        %dma_start3A_67 = tpu.memref_slice %arg3[%multiple_of3A] : memref<800000xf32, #tpu.memory_space<hbm>> -> memref<976xf32, #tpu.memory_space<hbm>>
        %dma_start3A_68 = tpu.memref_slice %arg3[%multiple_of3A] : memref<800000xf32, #tpu.memory_space<hbm>> -> memref<976xf32, #tpu.memory_space<hbm>>
        tpu.enqueue_dma source(%dma_start3A_68 : memref<976xf32, #tpu.memory_space<hbm>>) target(%arg13 : memref<976xf32, #tpu.memory_space<vmem>>) target_semaphore(%arg20 : memref<!tpu.dma_semaphore, #tpu.memory_space<semaphore_mem>>)
        %dma_start3A_69 = tpu.memref_slice %arg4[%multiple_of3A] : memref<800000xf32, #tpu.memory_space<hbm>> -> memref<976xf32, #tpu.memory_space<hbm>>
        %dma_start3A_70 = tpu.memref_slice %arg4[%multiple_of3A] : memref<800000xf32, #tpu.memory_space<hbm>> -> memref<976xf32, #tpu.memory_space<hbm>>
        tpu.enqueue_dma source(%dma_start3A_70 : memref<976xf32, #tpu.memory_space<hbm>>) target(%arg14 : memref<976xf32, #tpu.memory_space<vmem>>) target_semaphore(%arg20 : memref<!tpu.dma_semaphore, #tpu.memory_space<semaphore_mem>>)
        %dma_start3A_71 = tpu.memref_slice %arg5[%multiple_of3A] : memref<800000xf32, #tpu.memory_space<hbm>> -> memref<976xf32, #tpu.memory_space<hbm>>
        %dma_start3A_72 = tpu.memref_slice %arg5[%multiple_of3A] : memref<800000xf32, #tpu.memory_space<hbm>> -> memref<976xf32, #tpu.memory_space<hbm>>
        tpu.enqueue_dma source(%dma_start3A_72 : memref<976xf32, #tpu.memory_space<hbm>>) target(%arg15 : memref<976xf32, #tpu.memory_space<vmem>>) target_semaphore(%arg20 : memref<!tpu.dma_semaphore, #tpu.memory_space<semaphore_mem>>)
        %dma_start3A_73 = tpu.memref_slice %arg6[%multiple_of3A] : memref<800000xi32, #tpu.memory_space<hbm>> -> memref<976xi32, #tpu.memory_space<hbm>>
        %dma_start3A_74 = tpu.memref_slice %arg6[%multiple_of3A] : memref<800000xi32, #tpu.memory_space<hbm>> -> memref<976xi32, #tpu.memory_space<hbm>>
        tpu.enqueue_dma source(%dma_start3A_74 : memref<976xi32, #tpu.memory_space<hbm>>) target(%arg16 : memref<976xi32, #tpu.memory_space<vmem>>) target_semaphore(%arg20 : memref<!tpu.dma_semaphore, #tpu.memory_space<semaphore_mem>>)
        %dma_start3A_75 = tpu.memref_slice %arg7[%multiple_of3A] : memref<800000xi32, #tpu.memory_space<hbm>> -> memref<976xi32, #tpu.memory_space<hbm>>
        %dma_start3A_76 = tpu.memref_slice %arg7[%multiple_of3A] : memref<800000xi32, #tpu.memory_space<hbm>> -> memref<976xi32, #tpu.memory_space<hbm>>
        tpu.enqueue_dma source(%dma_start3A_76 : memref<976xi32, #tpu.memory_space<hbm>>) target(%arg17 : memref<976xi32, #tpu.memory_space<vmem>>) target_semaphore(%arg20 : memref<!tpu.dma_semaphore, #tpu.memory_space<semaphore_mem>>)
        %dma_wait3A = tpu.memref_slice %arg2[%multiple_of3A] : memref<800000xf32, #tpu.memory_space<hbm>> -> memref<976xf32, #tpu.memory_space<hbm>>
        %dma_wait3A_77 = tpu.memref_slice %arg2[%multiple_of3A] : memref<800000xf32, #tpu.memory_space<hbm>> -> memref<976xf32, #tpu.memory_space<hbm>>
        tpu.wait_dma2 semaphore(%arg20 : memref<!tpu.dma_semaphore, #tpu.memory_space<semaphore_mem>>) src(%dma_wait3A_77 : memref<976xf32, #tpu.memory_space<hbm>>) dst(%arg12 : memref<976xf32, #tpu.memory_space<vmem>>)
        %dma_wait3A_78 = tpu.memref_slice %arg3[%multiple_of3A] : memref<800000xf32, #tpu.memory_space<hbm>> -> memref<976xf32, #tpu.memory_space<hbm>>
        %dma_wait3A_79 = tpu.memref_slice %arg3[%multiple_of3A] : memref<800000xf32, #tpu.memory_space<hbm>> -> memref<976xf32, #tpu.memory_space<hbm>>
        tpu.wait_dma2 semaphore(%arg20 : memref<!tpu.dma_semaphore, #tpu.memory_space<semaphore_mem>>) src(%dma_wait3A_79 : memref<976xf32, #tpu.memory_space<hbm>>) dst(%arg13 : memref<976xf32, #tpu.memory_space<vmem>>)
        %dma_wait3A_80 = tpu.memref_slice %arg4[%multiple_of3A] : memref<800000xf32, #tpu.memory_space<hbm>> -> memref<976xf32, #tpu.memory_space<hbm>>
        %dma_wait3A_81 = tpu.memref_slice %arg4[%multiple_of3A] : memref<800000xf32, #tpu.memory_space<hbm>> -> memref<976xf32, #tpu.memory_space<hbm>>
        tpu.wait_dma2 semaphore(%arg20 : memref<!tpu.dma_semaphore, #tpu.memory_space<semaphore_mem>>) src(%dma_wait3A_81 : memref<976xf32, #tpu.memory_space<hbm>>) dst(%arg14 : memref<976xf32, #tpu.memory_space<vmem>>)
        %dma_wait3A_82 = tpu.memref_slice %arg5[%multiple_of3A] : memref<800000xf32, #tpu.memory_space<hbm>> -> memref<976xf32, #tpu.memory_space<hbm>>
        %dma_wait3A_83 = tpu.memref_slice %arg5[%multiple_of3A] : memref<800000xf32, #tpu.memory_space<hbm>> -> memref<976xf32, #tpu.memory_space<hbm>>
        tpu.wait_dma2 semaphore(%arg20 : memref<!tpu.dma_semaphore, #tpu.memory_space<semaphore_mem>>) src(%dma_wait3A_83 : memref<976xf32, #tpu.memory_space<hbm>>) dst(%arg15 : memref<976xf32, #tpu.memory_space<vmem>>)
        %dma_wait3A_84 = tpu.memref_slice %arg6[%multiple_of3A] : memref<800000xi32, #tpu.memory_space<hbm>> -> memref<976xi32, #tpu.memory_space<hbm>>
        %dma_wait3A_85 = tpu.memref_slice %arg6[%multiple_of3A] : memref<800000xi32, #tpu.memory_space<hbm>> -> memref<976xi32, #tpu.memory_space<hbm>>
        tpu.wait_dma2 semaphore(%arg20 : memref<!tpu.dma_semaphore, #tpu.memory_space<semaphore_mem>>) src(%dma_wait3A_85 : memref<976xi32, #tpu.memory_space<hbm>>) dst(%arg16 : memref<976xi32, #tpu.memory_space<vmem>>)
        %dma_wait3A_86 = tpu.memref_slice %arg7[%multiple_of3A] : memref<800000xi32, #tpu.memory_space<hbm>> -> memref<976xi32, #tpu.memory_space<hbm>>
        %dma_wait3A_87 = tpu.memref_slice %arg7[%multiple_of3A] : memref<800000xi32, #tpu.memory_space<hbm>> -> memref<976xi32, #tpu.memory_space<hbm>>
        tpu.wait_dma2 semaphore(%arg20 : memref<!tpu.dma_semaphore, #tpu.memory_space<semaphore_mem>>) src(%dma_wait3A_87 : memref<976xi32, #tpu.memory_space<hbm>>) dst(%arg17 : memref<976xi32, #tpu.memory_space<vmem>>)
        %scan3A_88 = arith.constant 0 : i32
        %scan3A_89 = arith.constant 0 : i32
        %scan3A_90 = arith.constant 61 : i32
        %scan3A_91 = arith.addi %scan3A_89, %scan3A_90 : i32
        %scan3A_92 = arith.constant 1 : i32
        %scan3A_93 = scf.for %scan3A_96 = %scan3A_89 to %scan3A_91 step %scan3A_92 iter_args(%scan3A_97 = %scan3A_88) -> (i32)  : i32 {
          %add3A_98 = vector.broadcast %scan3A_96 : i32 to vector<16xi32>
          %add3A_99 = arith.addi %add3A_98, %mul3A_3 : vector<16xi32>
          %gather3A = tpu.vector_load_idx %arg12[%add3A_99] : memref<976xf32, #tpu.memory_space<vmem>>[vector<16xi32>], vector<16xf32>,
          %gather3A_100 = tpu.vector_load_idx %arg13[%add3A_99] : memref<976xf32, #tpu.memory_space<vmem>>[vector<16xi32>], vector<16xf32>,
          %gather3A_101 = tpu.vector_load_idx %arg14[%add3A_99] : memref<976xf32, #tpu.memory_space<vmem>>[vector<16xi32>], vector<16xf32>,
          %gather3A_102 = tpu.vector_load_idx %arg15[%add3A_99] : memref<976xf32, #tpu.memory_space<vmem>>[vector<16xi32>], vector<16xf32>,
          %gather3A_103 = tpu.vector_load_idx %arg16[%add3A_99] : memref<976xi32, #tpu.memory_space<vmem>>[vector<16xi32>], vector<16xi32>,
          %gather3A_104 = tpu.vector_load_idx %arg17[%add3A_99] : memref<976xi32, #tpu.memory_space<vmem>>[vector<16xi32>], vector<16xi32>,
          %shift_right_logical3A = arith.constant 4 : i32
          %shift_right_logical3A_105 = vector.broadcast %shift_right_logical3A : i32 to vector<16xi32>
          %shift_right_logical3A_106 = arith.shrui %gather3A_104, %shift_right_logical3A_105 : vector<16xi32>
          %gather3A_107 = tpu.vector_load_idx %arg18[%shift_right_logical3A_106] : memref<3200xi32, #tpu.memory_space<vmem>>[vector<16xi32>], vector<16xi32>,
          %and3A_108 = arith.constant 15 : i32
          %and3A_109 = vector.broadcast %and3A_108 : i32 to vector<16xi32>
          %and3A_110 = arith.andi %gather3A_104, %and3A_109 : vector<16xi32>
          %shift_left3A = arith.constant 1 : i32
          %shift_left3A_111 = vector.broadcast %shift_left3A : i32 to vector<16xi32>
          %shift_left3A_112 = arith.shli %and3A_110, %shift_left3A_111 : vector<16xi32>
          %shift_right_logical3A_113 = arith.shrui %gather3A_107, %shift_left3A_112 : vector<16xi32>
          %and3A_114 = arith.constant 3 : i32
          %and3A_115 = vector.broadcast %and3A_114 : i32 to vector<16xi32>
          %and3A_116 = arith.andi %shift_right_logical3A_113, %and3A_115 : vector<16xi32>
          %add3A_117 = vector.broadcast %multiple_of3A : i32 to vector<16xi32>
          %add3A_118 = arith.addi %add3A_117, %add3A_99 : vector<16xi32>
          %ge3A = vector.broadcast %max3A : i32 to vector<16xi32>
          %ge3A_119 = arith.cmpi sge, %add3A_118, %ge3A : vector<16xi32>
          %lt3A_120 = vector.broadcast %min3A_65 : i32 to vector<16xi32>
          %lt3A_121 = arith.cmpi slt, %add3A_118, %lt3A_120 : vector<16xi32>
          %and3A_122 = arith.andi %ge3A_119, %lt3A_121 : vector<16xi1>
          %sub3A_123 = vector.broadcast %mul3A_17 : i32 to vector<16xi32>
          %sub3A_124 = arith.subi %gather3A_103, %sub3A_123 : vector<16xi32>
          %mul3A_125 = arith.constant 4 : i32
          %mul3A_126 = vector.broadcast %mul3A_125 : i32 to vector<16xi32>
          %mul3A_127 = arith.muli %sub3A_124, %mul3A_126 : vector<16xi32>
          %add3A_128 = arith.addi %mul3A_127, %and3A_116 : vector<16xi32>
          %mul3A_129 = arith.constant 65 : i32
          %mul3A_130 = vector.broadcast %mul3A_129 : i32 to vector<16xi32>
          %mul3A_131 = arith.muli %add3A_128, %mul3A_130 : vector<16xi32>
          %jit3A = arith.constant 66560 : i32
          %broadcast_in_dim3A_132 = vector.broadcast %jit3A : i32 to vector<16xi32>
          %select_n3A = arith.select %and3A_122, %mul3A_131, %broadcast_in_dim3A_132 : vector<16xi1>, vector<16xi32>
          %sub3A_133 = arith.constant 4.500000e+00 : f32
          %sub3A_134 = vector.broadcast %sub3A_133 : f32 to vector<16xf32>
          %sub3A_135 = arith.subf %gather3A, %sub3A_134 : vector<16xf32>
          %mul3A_136 = arith.constant 2.000000e+00 : f32
          %mul3A_137 = vector.broadcast %mul3A_136 : f32 to vector<16xf32>
          %mul3A_138 = arith.mulf %sub3A_135, %mul3A_137 : vector<16xf32>
          %jit3A_139 = arith.constant 0.000000e+00 : f32
          %jit3A_140 = arith.constant 1.000000e+00 : f32
          %max3A_141 = vector.broadcast %jit3A_139 : f32 to vector<16xf32>
          %max3A_142 = arith.maximumf %max3A_141, %mul3A_138 : vector<16xf32>
          %min3A_143 = vector.broadcast %jit3A_140 : f32 to vector<16xf32>
          %min3A_144 = arith.minimumf %min3A_143, %max3A_142 : vector<16xf32>
          %sub3A_145 = arith.constant 5.000000e-01 : f32
          %sub3A_146 = vector.broadcast %sub3A_145 : f32 to vector<16xf32>
          %sub3A_147 = arith.subf %min3A_144, %sub3A_146 : vector<16xf32>
          %mul3A_148 = arith.constant 3.14159274 : f32
          %mul3A_149 = vector.broadcast %mul3A_148 : f32 to vector<16xf32>
          %mul3A_150 = arith.mulf %sub3A_147, %mul3A_149 : vector<16xf32>
          %mul3A_151 = arith.mulf %mul3A_150, %mul3A_150 : vector<16xf32>
          %mul3A_152 = arith.constant -2.50521079E-8 : f32
          %mul3A_153 = vector.broadcast %mul3A_152 : f32 to vector<16xf32>
          %mul3A_154 = arith.mulf %mul3A_151, %mul3A_153 : vector<16xf32>
          %add3A_155 = arith.constant 2.75573188E-6 : f32
          %add3A_156 = vector.broadcast %add3A_155 : f32 to vector<16xf32>
          %add3A_157 = arith.addf %add3A_156, %mul3A_154 : vector<16xf32>
          %mul3A_158 = arith.mulf %mul3A_151, %add3A_157 : vector<16xf32>
          %add3A_159 = arith.constant -1.98412701E-4 : f32
          %add3A_160 = vector.broadcast %add3A_159 : f32 to vector<16xf32>
          %add3A_161 = arith.addf %add3A_160, %mul3A_158 : vector<16xf32>
          %mul3A_162 = arith.mulf %mul3A_151, %add3A_161 : vector<16xf32>
          %add3A_163 = arith.constant 0.00833333377 : f32
          %add3A_164 = vector.broadcast %add3A_163 : f32 to vector<16xf32>
          %add3A_165 = arith.addf %add3A_164, %mul3A_162 : vector<16xf32>
          %mul3A_166 = arith.mulf %mul3A_151, %add3A_165 : vector<16xf32>
          %add3A_167 = arith.constant -0.166666672 : f32
          %add3A_168 = vector.broadcast %add3A_167 : f32 to vector<16xf32>
          %add3A_169 = arith.addf %add3A_168, %mul3A_166 : vector<16xf32>
          %mul3A_170 = arith.mulf %mul3A_151, %add3A_169 : vector<16xf32>
          %add3A_171 = arith.constant 1.000000e+00 : f32
          %add3A_172 = vector.broadcast %add3A_171 : f32 to vector<16xf32>
          %add3A_173 = arith.addf %add3A_172, %mul3A_170 : vector<16xf32>
          %mul3A_174 = arith.mulf %mul3A_150, %add3A_173 : vector<16xf32>
          %mul3A_175 = arith.constant 5.000000e-01 : f32
          %mul3A_176 = vector.broadcast %mul3A_175 : f32 to vector<16xf32>
          %mul3A_177 = arith.mulf %mul3A_176, %mul3A_174 : vector<16xf32>
          %sub3A_178 = arith.constant 5.000000e-01 : f32
          %sub3A_179 = vector.broadcast %sub3A_178 : f32 to vector<16xf32>
          %sub3A_180 = arith.subf %sub3A_179, %mul3A_177 : vector<16xf32>
          %lt3A_181 = arith.constant 4.500000e+00 : f32
          %lt3A_182 = vector.broadcast %lt3A_181 : f32 to vector<16xf32>
          %lt3A_183 = arith.cmpf olt, %gather3A, %lt3A_182 : vector<16xf32>
          %lt3A_184 = arith.constant 5.000000e+00 : f32
          %lt3A_185 = vector.broadcast %lt3A_184 : f32 to vector<16xf32>
          %lt3A_186 = arith.cmpf olt, %gather3A, %lt3A_185 : vector<16xf32>
          %jit3A_187 = arith.constant 0.000000e+00 : f32
          %broadcast_in_dim3A_188 = vector.broadcast %jit3A_187 : f32 to vector<16xf32>
          %select_n3A_189 = arith.select %lt3A_186, %sub3A_180, %broadcast_in_dim3A_188 : vector<16xi1>, vector<16xf32>
          %jit3A_190 = arith.constant 1.000000e+00 : f32
          %broadcast_in_dim3A_191 = vector.broadcast %jit3A_190 : f32 to vector<16xf32>
          %select_n3A_192 = arith.select %lt3A_183, %broadcast_in_dim3A_191, %select_n3A_189 : vector<16xi1>, vector<16xf32>
          %mul3A_193 = arith.constant 2.000000e-01 : f32
          %mul3A_194 = vector.broadcast %mul3A_193 : f32 to vector<16xf32>
          %mul3A_195 = arith.mulf %gather3A, %mul3A_194 : vector<16xf32>
          %max3A_196 = arith.constant 9.99999997E-7 : f32
          %max3A_197 = vector.broadcast %max3A_196 : f32 to vector<16xf32>
          %max3A_198 = arith.maximumf %mul3A_195, %max3A_197 : vector<16xf32>
          %mul3A_199 = arith.mulf %select_n3A_192, %max3A_198 : vector<16xf32>
          %mul3A_200 = arith.mulf %mul3A_199, %max3A_198 : vector<16xf32>
          %mul3A_201 = arith.mulf %mul3A_200, %max3A_198 : vector<16xf32>
          %sub3A_202 = arith.constant 1.66666663 : f32
          %sub3A_203 = vector.broadcast %sub3A_202 : f32 to vector<16xf32>
          %sub3A_204 = arith.subf %gather3A, %sub3A_203 : vector<16xf32>
          %sub3A_205 = arith.constant 3.33333325 : f32
          %sub3A_206 = vector.broadcast %sub3A_205 : f32 to vector<16xf32>
          %sub3A_207 = arith.subf %gather3A, %sub3A_206 : vector<16xf32>
          %sub3A_208 = arith.constant 5.000000e+00 : f32
          %sub3A_209 = vector.broadcast %sub3A_208 : f32 to vector<16xf32>
          %sub3A_210 = arith.subf %gather3A, %sub3A_209 : vector<16xf32>
          %mul3A_211 = arith.mulf %gather3A, %gather3A : vector<16xf32>
          %mul3A_212 = arith.constant -2.000000e+00 : f32
          %mul3A_213 = vector.broadcast %mul3A_212 : f32 to vector<16xf32>
          %mul3A_214 = arith.mulf %mul3A_213, %mul3A_211 : vector<16xf32>
          %exp3A = math.exp %mul3A_214 : vector<16xf32>
          %mul3A_215 = arith.mulf %sub3A_204, %sub3A_204 : vector<16xf32>
          %mul3A_216 = arith.constant -2.000000e+00 : f32
          %mul3A_217 = vector.broadcast %mul3A_216 : f32 to vector<16xf32>
          %mul3A_218 = arith.mulf %mul3A_217, %mul3A_215 : vector<16xf32>
          %exp3A_219 = math.exp %mul3A_218 : vector<16xf32>
          %mul3A_220 = arith.mulf %sub3A_207, %sub3A_207 : vector<16xf32>
          %mul3A_221 = arith.constant -2.000000e+00 : f32
          %mul3A_222 = vector.broadcast %mul3A_221 : f32 to vector<16xf32>
          %mul3A_223 = arith.mulf %mul3A_222, %mul3A_220 : vector<16xf32>
          %exp3A_224 = math.exp %mul3A_223 : vector<16xf32>
          %mul3A_225 = arith.mulf %sub3A_210, %sub3A_210 : vector<16xf32>
          %mul3A_226 = arith.constant -2.000000e+00 : f32
          %mul3A_227 = vector.broadcast %mul3A_226 : f32 to vector<16xf32>
          %mul3A_228 = arith.mulf %mul3A_227, %mul3A_225 : vector<16xf32>
          %exp3A_229 = math.exp %mul3A_228 : vector<16xf32>
          %mul3A_230 = arith.mulf %gather3A_100, %gather3A_100 : vector<16xf32>
          %mul3A_231 = arith.mulf %gather3A_101, %gather3A_101 : vector<16xf32>
          %mul3A_232 = arith.mulf %gather3A_102, %gather3A_102 : vector<16xf32>
          %mul3A_233 = arith.mulf %gather3A_100, %gather3A_101 : vector<16xf32>
          %mul3A_234 = arith.constant 0.282094806 : f32
          %mul3A_235 = vector.broadcast %mul3A_234 : f32 to vector<16xf32>
          %mul3A_236 = arith.mulf %select_n3A_192, %mul3A_235 : vector<16xf32>
          %mul3A_237 = arith.constant 0.488602519 : f32
          %mul3A_238 = vector.broadcast %mul3A_237 : f32 to vector<16xf32>
          %mul3A_239 = arith.mulf %mul3A_199, %mul3A_238 : vector<16xf32>
          %mul3A_240 = arith.mulf %mul3A_239, %gather3A_101 : vector<16xf32>
          %mul3A_241 = arith.constant 0.488602519 : f32
          %mul3A_242 = vector.broadcast %mul3A_241 : f32 to vector<16xf32>
          %mul3A_243 = arith.mulf %mul3A_199, %mul3A_242 : vector<16xf32>
          %mul3A_244 = arith.mulf %mul3A_243, %gather3A_102 : vector<16xf32>
          %mul3A_245 = arith.constant 0.488602519 : f32
          %mul3A_246 = vector.broadcast %mul3A_245 : f32 to vector<16xf32>
          %mul3A_247 = arith.mulf %mul3A_199, %mul3A_246 : vector<16xf32>
          %mul3A_248 = arith.mulf %mul3A_247, %gather3A_100 : vector<16xf32>
          %mul3A_249 = arith.constant 1.09254849 : f32
          %mul3A_250 = vector.broadcast %mul3A_249 : f32 to vector<16xf32>
          %mul3A_251 = arith.mulf %mul3A_200, %mul3A_250 : vector<16xf32>
          %mul3A_252 = arith.mulf %mul3A_251, %mul3A_233 : vector<16xf32>
          %mul3A_253 = arith.constant 1.09254849 : f32
          %mul3A_254 = vector.broadcast %mul3A_253 : f32 to vector<16xf32>
          %mul3A_255 = arith.mulf %mul3A_200, %mul3A_254 : vector<16xf32>
          %mul3A_256 = arith.mulf %gather3A_101, %gather3A_102 : vector<16xf32>
          %mul3A_257 = arith.mulf %mul3A_255, %mul3A_256 : vector<16xf32>
          %mul3A_258 = arith.constant 0.31539157 : f32
          %mul3A_259 = vector.broadcast %mul3A_258 : f32 to vector<16xf32>
          %mul3A_260 = arith.mulf %mul3A_200, %mul3A_259 : vector<16xf32>
          %mul3A_261 = arith.constant 3.000000e+00 : f32
          %mul3A_262 = vector.broadcast %mul3A_261 : f32 to vector<16xf32>
          %mul3A_263 = arith.mulf %mul3A_262, %mul3A_232 : vector<16xf32>
          %sub3A_264 = arith.constant 1.000000e+00 : f32
          %sub3A_265 = vector.broadcast %sub3A_264 : f32 to vector<16xf32>
          %sub3A_266 = arith.subf %mul3A_263, %sub3A_265 : vector<16xf32>
          %mul3A_267 = arith.mulf %mul3A_260, %sub3A_266 : vector<16xf32>
          %mul3A_268 = arith.constant 1.09254849 : f32
          %mul3A_269 = vector.broadcast %mul3A_268 : f32 to vector<16xf32>
          %mul3A_270 = arith.mulf %mul3A_200, %mul3A_269 : vector<16xf32>
          %mul3A_271 = arith.mulf %gather3A_100, %gather3A_102 : vector<16xf32>
          %mul3A_272 = arith.mulf %mul3A_270, %mul3A_271 : vector<16xf32>
          %mul3A_273 = arith.constant 0.546274245 : f32
          %mul3A_274 = vector.broadcast %mul3A_273 : f32 to vector<16xf32>
          %mul3A_275 = arith.mulf %mul3A_200, %mul3A_274 : vector<16xf32>
          %sub3A_276 = arith.subf %mul3A_230, %mul3A_231 : vector<16xf32>
          %mul3A_277 = arith.mulf %mul3A_275, %sub3A_276 : vector<16xf32>
          %mul3A_278 = arith.constant 0.590043604 : f32
          %mul3A_279 = vector.broadcast %mul3A_278 : f32 to vector<16xf32>
          %mul3A_280 = arith.mulf %mul3A_201, %mul3A_279 : vector<16xf32>
          %mul3A_281 = arith.constant 3.000000e+00 : f32
          %mul3A_282 = vector.broadcast %mul3A_281 : f32 to vector<16xf32>
          %mul3A_283 = arith.mulf %mul3A_282, %mul3A_230 : vector<16xf32>
          %sub3A_284 = arith.subf %mul3A_283, %mul3A_231 : vector<16xf32>
          %mul3A_285 = arith.mulf %gather3A_101, %sub3A_284 : vector<16xf32>
          %mul3A_286 = arith.mulf %mul3A_280, %mul3A_285 : vector<16xf32>
          %mul3A_287 = arith.constant 2.89061141 : f32
          %mul3A_288 = vector.broadcast %mul3A_287 : f32 to vector<16xf32>
          %mul3A_289 = arith.mulf %mul3A_201, %mul3A_288 : vector<16xf32>
          %mul3A_290 = arith.mulf %mul3A_233, %gather3A_102 : vector<16xf32>
          %mul3A_291 = arith.mulf %mul3A_289, %mul3A_290 : vector<16xf32>
          %mul3A_292 = arith.constant 0.457045794 : f32
          %mul3A_293 = vector.broadcast %mul3A_292 : f32 to vector<16xf32>
          %mul3A_294 = arith.mulf %mul3A_201, %mul3A_293 : vector<16xf32>
          %mul3A_295 = arith.constant 5.000000e+00 : f32
          %mul3A_296 = vector.broadcast %mul3A_295 : f32 to vector<16xf32>
          %mul3A_297 = arith.mulf %mul3A_296, %mul3A_232 : vector<16xf32>
          %sub3A_298 = arith.constant 1.000000e+00 : f32
          %sub3A_299 = vector.broadcast %sub3A_298 : f32 to vector<16xf32>
          %sub3A_300 = arith.subf %mul3A_297, %sub3A_299 : vector<16xf32>
          %mul3A_301 = arith.mulf %gather3A_101, %sub3A_300 : vector<16xf32>
          %mul3A_302 = arith.mulf %mul3A_294, %mul3A_301 : vector<16xf32>
          %mul3A_303 = arith.constant 0.373176336 : f32
          %mul3A_304 = vector.broadcast %mul3A_303 : f32 to vector<16xf32>
          %mul3A_305 = arith.mulf %mul3A_201, %mul3A_304 : vector<16xf32>
          %mul3A_306 = arith.constant 5.000000e+00 : f32
          %mul3A_307 = vector.broadcast %mul3A_306 : f32 to vector<16xf32>
          %mul3A_308 = arith.mulf %mul3A_307, %mul3A_232 : vector<16xf32>
          %sub3A_309 = arith.constant 3.000000e+00 : f32
          %sub3A_310 = vector.broadcast %sub3A_309 : f32 to vector<16xf32>
          %sub3A_311 = arith.subf %mul3A_308, %sub3A_310 : vector<16xf32>
          %mul3A_312 = arith.mulf %sub3A_311, %gather3A_102 : vector<16xf32>
          %mul3A_313 = arith.mulf %mul3A_305, %mul3A_312 : vector<16xf32>
          %mul3A_314 = arith.constant 0.457045794 : f32
          %mul3A_315 = vector.broadcast %mul3A_314 : f32 to vector<16xf32>
          %mul3A_316 = arith.mulf %mul3A_201, %mul3A_315 : vector<16xf32>
          %mul3A_317 = arith.constant 5.000000e+00 : f32
          %mul3A_318 = vector.broadcast %mul3A_317 : f32 to vector<16xf32>
          %mul3A_319 = arith.mulf %mul3A_318, %mul3A_232 : vector<16xf32>
          %sub3A_320 = arith.constant 1.000000e+00 : f32
          %sub3A_321 = vector.broadcast %sub3A_320 : f32 to vector<16xf32>
          %sub3A_322 = arith.subf %mul3A_319, %sub3A_321 : vector<16xf32>
          %mul3A_323 = arith.mulf %gather3A_100, %sub3A_322 : vector<16xf32>
          %mul3A_324 = arith.mulf %mul3A_316, %mul3A_323 : vector<16xf32>
          %mul3A_325 = arith.constant 1.44530571 : f32
          %mul3A_326 = vector.broadcast %mul3A_325 : f32 to vector<16xf32>
          %mul3A_327 = arith.mulf %mul3A_201, %mul3A_326 : vector<16xf32>
          %sub3A_328 = arith.subf %mul3A_230, %mul3A_231 : vector<16xf32>
          %mul3A_329 = arith.mulf %gather3A_102, %sub3A_328 : vector<16xf32>
          %mul3A_330 = arith.mulf %mul3A_327, %mul3A_329 : vector<16xf32>
          %mul3A_331 = arith.constant 0.590043604 : f32
          %mul3A_332 = vector.broadcast %mul3A_331 : f32 to vector<16xf32>
          %mul3A_333 = arith.mulf %mul3A_201, %mul3A_332 : vector<16xf32>
          %mul3A_334 = arith.constant 3.000000e+00 : f32
          %mul3A_335 = vector.broadcast %mul3A_334 : f32 to vector<16xf32>
          %mul3A_336 = arith.mulf %mul3A_335, %mul3A_231 : vector<16xf32>
          %sub3A_337 = arith.subf %mul3A_230, %mul3A_336 : vector<16xf32>
          %mul3A_338 = arith.mulf %gather3A_100, %sub3A_337 : vector<16xf32>
          %mul3A_339 = arith.mulf %mul3A_333, %mul3A_338 : vector<16xf32>
          %add3A_340 = arith.constant 0 : i32
          %add3A_341 = vector.broadcast %add3A_340 : i32 to vector<16xi32>
          %add3A_342 = arith.addi %select_n3A, %add3A_341 : vector<16xi32>
          %mul3A_343 = arith.mulf %exp3A, %mul3A_236 : vector<16xf32>
          tpu.vector_store_idx %arg11[%add3A_342], %mul3A_343 {add = true} : memref<66688xf32, #tpu.memory_space<vmem>>[vector<16xi32>], vector<16xf32>,
          %add3A_344 = arith.constant 1 : i32
          %add3A_345 = vector.broadcast %add3A_344 : i32 to vector<16xi32>
          %add3A_346 = arith.addi %select_n3A, %add3A_345 : vector<16xi32>
          %mul3A_347 = arith.mulf %exp3A, %mul3A_240 : vector<16xf32>
          tpu.vector_store_idx %arg11[%add3A_346], %mul3A_347 {add = true} : memref<66688xf32, #tpu.memory_space<vmem>>[vector<16xi32>], vector<16xf32>,
          %add3A_348 = arith.constant 2 : i32
          %add3A_349 = vector.broadcast %add3A_348 : i32 to vector<16xi32>
          %add3A_350 = arith.addi %select_n3A, %add3A_349 : vector<16xi32>
          %mul3A_351 = arith.mulf %exp3A, %mul3A_244 : vector<16xf32>
          tpu.vector_store_idx %arg11[%add3A_350], %mul3A_351 {add = true} : memref<66688xf32, #tpu.memory_space<vmem>>[vector<16xi32>], vector<16xf32>,
          %add3A_352 = arith.constant 3 : i32
          %add3A_353 = vector.broadcast %add3A_352 : i32 to vector<16xi32>
          %add3A_354 = arith.addi %select_n3A, %add3A_353 : vector<16xi32>
          %mul3A_355 = arith.mulf %exp3A, %mul3A_248 : vector<16xf32>
          tpu.vector_store_idx %arg11[%add3A_354], %mul3A_355 {add = true} : memref<66688xf32, #tpu.memory_space<vmem>>[vector<16xi32>], vector<16xf32>,
          %add3A_356 = arith.constant 4 : i32
          %add3A_357 = vector.broadcast %add3A_356 : i32 to vector<16xi32>
          %add3A_358 = arith.addi %select_n3A, %add3A_357 : vector<16xi32>
          %mul3A_359 = arith.mulf %exp3A, %mul3A_252 : vector<16xf32>
          tpu.vector_store_idx %arg11[%add3A_358], %mul3A_359 {add = true} : memref<66688xf32, #tpu.memory_space<vmem>>[vector<16xi32>], vector<16xf32>,
          %add3A_360 = arith.constant 5 : i32
          %add3A_361 = vector.broadcast %add3A_360 : i32 to vector<16xi32>
          %add3A_362 = arith.addi %select_n3A, %add3A_361 : vector<16xi32>
          %mul3A_363 = arith.mulf %exp3A, %mul3A_257 : vector<16xf32>
          tpu.vector_store_idx %arg11[%add3A_362], %mul3A_363 {add = true} : memref<66688xf32, #tpu.memory_space<vmem>>[vector<16xi32>], vector<16xf32>,
          %add3A_364 = arith.constant 6 : i32
          %add3A_365 = vector.broadcast %add3A_364 : i32 to vector<16xi32>
          %add3A_366 = arith.addi %select_n3A, %add3A_365 : vector<16xi32>
          %mul3A_367 = arith.mulf %exp3A, %mul3A_267 : vector<16xf32>
          tpu.vector_store_idx %arg11[%add3A_366], %mul3A_367 {add = true} : memref<66688xf32, #tpu.memory_space<vmem>>[vector<16xi32>], vector<16xf32>,
          %add3A_368 = arith.constant 7 : i32
          %add3A_369 = vector.broadcast %add3A_368 : i32 to vector<16xi32>
          %add3A_370 = arith.addi %select_n3A, %add3A_369 : vector<16xi32>
          %mul3A_371 = arith.mulf %exp3A, %mul3A_272 : vector<16xf32>
          tpu.vector_store_idx %arg11[%add3A_370], %mul3A_371 {add = true} : memref<66688xf32, #tpu.memory_space<vmem>>[vector<16xi32>], vector<16xf32>,
          %add3A_372 = arith.constant 8 : i32
          %add3A_373 = vector.broadcast %add3A_372 : i32 to vector<16xi32>
          %add3A_374 = arith.addi %select_n3A, %add3A_373 : vector<16xi32>
          %mul3A_375 = arith.mulf %exp3A, %mul3A_277 : vector<16xf32>
          tpu.vector_store_idx %arg11[%add3A_374], %mul3A_375 {add = true} : memref<66688xf32, #tpu.memory_space<vmem>>[vector<16xi32>], vector<16xf32>,
          %add3A_376 = arith.constant 9 : i32
          %add3A_377 = vector.broadcast %add3A_376 : i32 to vector<16xi32>
          %add3A_378 = arith.addi %select_n3A, %add3A_377 : vector<16xi32>
          %mul3A_379 = arith.mulf %exp3A, %mul3A_286 : vector<16xf32>
          tpu.vector_store_idx %arg11[%add3A_378], %mul3A_379 {add = true} : memref<66688xf32, #tpu.memory_space<vmem>>[vector<16xi32>], vector<16xf32>,
          %add3A_380 = arith.constant 10 : i32
          %add3A_381 = vector.broadcast %add3A_380 : i32 to vector<16xi32>
          %add3A_382 = arith.addi %select_n3A, %add3A_381 : vector<16xi32>
          %mul3A_383 = arith.mulf %exp3A, %mul3A_291 : vector<16xf32>
          tpu.vector_store_idx %arg11[%add3A_382], %mul3A_383 {add = true} : memref<66688xf32, #tpu.memory_space<vmem>>[vector<16xi32>], vector<16xf32>,
          %add3A_384 = arith.constant 11 : i32
          %add3A_385 = vector.broadcast %add3A_384 : i32 to vector<16xi32>
          %add3A_386 = arith.addi %select_n3A, %add3A_385 : vector<16xi32>
          %mul3A_387 = arith.mulf %exp3A, %mul3A_302 : vector<16xf32>
          tpu.vector_store_idx %arg11[%add3A_386], %mul3A_387 {add = true} : memref<66688xf32, #tpu.memory_space<vmem>>[vector<16xi32>], vector<16xf32>,
          %add3A_388 = arith.constant 12 : i32
          %add3A_389 = vector.broadcast %add3A_388 : i32 to vector<16xi32>
          %add3A_390 = arith.addi %select_n3A, %add3A_389 : vector<16xi32>
          %mul3A_391 = arith.mulf %exp3A, %mul3A_313 : vector<16xf32>
          tpu.vector_store_idx %arg11[%add3A_390], %mul3A_391 {add = true} : memref<66688xf32, #tpu.memory_space<vmem>>[vector<16xi32>], vector<16xf32>,
          %add3A_392 = arith.constant 13 : i32
          %add3A_393 = vector.broadcast %add3A_392 : i32 to vector<16xi32>
          %add3A_394 = arith.addi %select_n3A, %add3A_393 : vector<16xi32>
          %mul3A_395 = arith.mulf %exp3A, %mul3A_324 : vector<16xf32>
          tpu.vector_store_idx %arg11[%add3A_394], %mul3A_395 {add = true} : memref<66688xf32, #tpu.memory_space<vmem>>[vector<16xi32>], vector<16xf32>,
          %add3A_396 = arith.constant 14 : i32
          %add3A_397 = vector.broadcast %add3A_396 : i32 to vector<16xi32>
          %add3A_398 = arith.addi %select_n3A, %add3A_397 : vector<16xi32>
          %mul3A_399 = arith.mulf %exp3A, %mul3A_330 : vector<16xf32>
          tpu.vector_store_idx %arg11[%add3A_398], %mul3A_399 {add = true} : memref<66688xf32, #tpu.memory_space<vmem>>[vector<16xi32>], vector<16xf32>,
          %add3A_400 = arith.constant 15 : i32
          %add3A_401 = vector.broadcast %add3A_400 : i32 to vector<16xi32>
          %add3A_402 = arith.addi %select_n3A, %add3A_401 : vector<16xi32>
          %mul3A_403 = arith.mulf %exp3A, %mul3A_339 : vector<16xf32>
          tpu.vector_store_idx %arg11[%add3A_402], %mul3A_403 {add = true} : memref<66688xf32, #tpu.memory_space<vmem>>[vector<16xi32>], vector<16xf32>,
          %add3A_404 = arith.constant 16 : i32
          %add3A_405 = vector.broadcast %add3A_404 : i32 to vector<16xi32>
          %add3A_406 = arith.addi %select_n3A, %add3A_405 : vector<16xi32>
          %mul3A_407 = arith.mulf %exp3A_219, %mul3A_236 : vector<16xf32>
          tpu.vector_store_idx %arg11[%add3A_406], %mul3A_407 {add = true} : memref<66688xf32, #tpu.memory_space<vmem>>[vector<16xi32>], vector<16xf32>,
          %add3A_408 = arith.constant 17 : i32
          %add3A_409 = vector.broadcast %add3A_408 : i32 to vector<16xi32>
          %add3A_410 = arith.addi %select_n3A, %add3A_409 : vector<16xi32>
          %mul3A_411 = arith.mulf %exp3A_219, %mul3A_240 : vector<16xf32>
          tpu.vector_store_idx %arg11[%add3A_410], %mul3A_411 {add = true} : memref<66688xf32, #tpu.memory_space<vmem>>[vector<16xi32>], vector<16xf32>,
          %add3A_412 = arith.constant 18 : i32
          %add3A_413 = vector.broadcast %add3A_412 : i32 to vector<16xi32>
          %add3A_414 = arith.addi %select_n3A, %add3A_413 : vector<16xi32>
          %mul3A_415 = arith.mulf %exp3A_219, %mul3A_244 : vector<16xf32>
          tpu.vector_store_idx %arg11[%add3A_414], %mul3A_415 {add = true} : memref<66688xf32, #tpu.memory_space<vmem>>[vector<16xi32>], vector<16xf32>,
          %add3A_416 = arith.constant 19 : i32
          %add3A_417 = vector.broadcast %add3A_416 : i32 to vector<16xi32>
          %add3A_418 = arith.addi %select_n3A, %add3A_417 : vector<16xi32>
          %mul3A_419 = arith.mulf %exp3A_219, %mul3A_248 : vector<16xf32>
          tpu.vector_store_idx %arg11[%add3A_418], %mul3A_419 {add = true} : memref<66688xf32, #tpu.memory_space<vmem>>[vector<16xi32>], vector<16xf32>,
          %add3A_420 = arith.constant 20 : i32
          %add3A_421 = vector.broadcast %add3A_420 : i32 to vector<16xi32>
          %add3A_422 = arith.addi %select_n3A, %add3A_421 : vector<16xi32>
          %mul3A_423 = arith.mulf %exp3A_219, %mul3A_252 : vector<16xf32>
          tpu.vector_store_idx %arg11[%add3A_422], %mul3A_423 {add = true} : memref<66688xf32, #tpu.memory_space<vmem>>[vector<16xi32>], vector<16xf32>,
          %add3A_424 = arith.constant 21 : i32
          %add3A_425 = vector.broadcast %add3A_424 : i32 to vector<16xi32>
          %add3A_426 = arith.addi %select_n3A, %add3A_425 : vector<16xi32>
          %mul3A_427 = arith.mulf %exp3A_219, %mul3A_257 : vector<16xf32>
          tpu.vector_store_idx %arg11[%add3A_426], %mul3A_427 {add = true} : memref<66688xf32, #tpu.memory_space<vmem>>[vector<16xi32>], vector<16xf32>,
          %add3A_428 = arith.constant 22 : i32
          %add3A_429 = vector.broadcast %add3A_428 : i32 to vector<16xi32>
          %add3A_430 = arith.addi %select_n3A, %add3A_429 : vector<16xi32>
          %mul3A_431 = arith.mulf %exp3A_219, %mul3A_267 : vector<16xf32>
          tpu.vector_store_idx %arg11[%add3A_430], %mul3A_431 {add = true} : memref<66688xf32, #tpu.memory_space<vmem>>[vector<16xi32>], vector<16xf32>,
          %add3A_432 = arith.constant 23 : i32
          %add3A_433 = vector.broadcast %add3A_432 : i32 to vector<16xi32>
          %add3A_434 = arith.addi %select_n3A, %add3A_433 : vector<16xi32>
          %mul3A_435 = arith.mulf %exp3A_219, %mul3A_272 : vector<16xf32>
          tpu.vector_store_idx %arg11[%add3A_434], %mul3A_435 {add = true} : memref<66688xf32, #tpu.memory_space<vmem>>[vector<16xi32>], vector<16xf32>,
          %add3A_436 = arith.constant 24 : i32
          %add3A_437 = vector.broadcast %add3A_436 : i32 to vector<16xi32>
          %add3A_438 = arith.addi %select_n3A, %add3A_437 : vector<16xi32>
          %mul3A_439 = arith.mulf %exp3A_219, %mul3A_277 : vector<16xf32>
          tpu.vector_store_idx %arg11[%add3A_438], %mul3A_439 {add = true} : memref<66688xf32, #tpu.memory_space<vmem>>[vector<16xi32>], vector<16xf32>,
          %add3A_440 = arith.constant 25 : i32
          %add3A_441 = vector.broadcast %add3A_440 : i32 to vector<16xi32>
          %add3A_442 = arith.addi %select_n3A, %add3A_441 : vector<16xi32>
          %mul3A_443 = arith.mulf %exp3A_219, %mul3A_286 : vector<16xf32>
          tpu.vector_store_idx %arg11[%add3A_442], %mul3A_443 {add = true} : memref<66688xf32, #tpu.memory_space<vmem>>[vector<16xi32>], vector<16xf32>,
          %add3A_444 = arith.constant 26 : i32
          %add3A_445 = vector.broadcast %add3A_444 : i32 to vector<16xi32>
          %add3A_446 = arith.addi %select_n3A, %add3A_445 : vector<16xi32>
          %mul3A_447 = arith.mulf %exp3A_219, %mul3A_291 : vector<16xf32>
          tpu.vector_store_idx %arg11[%add3A_446], %mul3A_447 {add = true} : memref<66688xf32, #tpu.memory_space<vmem>>[vector<16xi32>], vector<16xf32>,
          %add3A_448 = arith.constant 27 : i32
          %add3A_449 = vector.broadcast %add3A_448 : i32 to vector<16xi32>
          %add3A_450 = arith.addi %select_n3A, %add3A_449 : vector<16xi32>
          %mul3A_451 = arith.mulf %exp3A_219, %mul3A_302 : vector<16xf32>
          tpu.vector_store_idx %arg11[%add3A_450], %mul3A_451 {add = true} : memref<66688xf32, #tpu.memory_space<vmem>>[vector<16xi32>], vector<16xf32>,
          %add3A_452 = arith.constant 28 : i32
          %add3A_453 = vector.broadcast %add3A_452 : i32 to vector<16xi32>
          %add3A_454 = arith.addi %select_n3A, %add3A_453 : vector<16xi32>
          %mul3A_455 = arith.mulf %exp3A_219, %mul3A_313 : vector<16xf32>
          tpu.vector_store_idx %arg11[%add3A_454], %mul3A_455 {add = true} : memref<66688xf32, #tpu.memory_space<vmem>>[vector<16xi32>], vector<16xf32>,
          %add3A_456 = arith.constant 29 : i32
          %add3A_457 = vector.broadcast %add3A_456 : i32 to vector<16xi32>
          %add3A_458 = arith.addi %select_n3A, %add3A_457 : vector<16xi32>
          %mul3A_459 = arith.mulf %exp3A_219, %mul3A_324 : vector<16xf32>
          tpu.vector_store_idx %arg11[%add3A_458], %mul3A_459 {add = true} : memref<66688xf32, #tpu.memory_space<vmem>>[vector<16xi32>], vector<16xf32>,
          %add3A_460 = arith.constant 30 : i32
          %add3A_461 = vector.broadcast %add3A_460 : i32 to vector<16xi32>
          %add3A_462 = arith.addi %select_n3A, %add3A_461 : vector<16xi32>
          %mul3A_463 = arith.mulf %exp3A_219, %mul3A_330 : vector<16xf32>
          tpu.vector_store_idx %arg11[%add3A_462], %mul3A_463 {add = true} : memref<66688xf32, #tpu.memory_space<vmem>>[vector<16xi32>], vector<16xf32>,
          %add3A_464 = arith.constant 31 : i32
          %add3A_465 = vector.broadcast %add3A_464 : i32 to vector<16xi32>
          %add3A_466 = arith.addi %select_n3A, %add3A_465 : vector<16xi32>
          %mul3A_467 = arith.mulf %exp3A_219, %mul3A_339 : vector<16xf32>
          tpu.vector_store_idx %arg11[%add3A_466], %mul3A_467 {add = true} : memref<66688xf32, #tpu.memory_space<vmem>>[vector<16xi32>], vector<16xf32>,
          %add3A_468 = arith.constant 32 : i32
          %add3A_469 = vector.broadcast %add3A_468 : i32 to vector<16xi32>
          %add3A_470 = arith.addi %select_n3A, %add3A_469 : vector<16xi32>
          %mul3A_471 = arith.mulf %exp3A_224, %mul3A_236 : vector<16xf32>
          tpu.vector_store_idx %arg11[%add3A_470], %mul3A_471 {add = true} : memref<66688xf32, #tpu.memory_space<vmem>>[vector<16xi32>], vector<16xf32>,
          %add3A_472 = arith.constant 33 : i32
          %add3A_473 = vector.broadcast %add3A_472 : i32 to vector<16xi32>
          %add3A_474 = arith.addi %select_n3A, %add3A_473 : vector<16xi32>
          %mul3A_475 = arith.mulf %exp3A_224, %mul3A_240 : vector<16xf32>
          tpu.vector_store_idx %arg11[%add3A_474], %mul3A_475 {add = true} : memref<66688xf32, #tpu.memory_space<vmem>>[vector<16xi32>], vector<16xf32>,
          %add3A_476 = arith.constant 34 : i32
          %add3A_477 = vector.broadcast %add3A_476 : i32 to vector<16xi32>
          %add3A_478 = arith.addi %select_n3A, %add3A_477 : vector<16xi32>
          %mul3A_479 = arith.mulf %exp3A_224, %mul3A_244 : vector<16xf32>
          tpu.vector_store_idx %arg11[%add3A_478], %mul3A_479 {add = true} : memref<66688xf32, #tpu.memory_space<vmem>>[vector<16xi32>], vector<16xf32>,
          %add3A_480 = arith.constant 35 : i32
          %add3A_481 = vector.broadcast %add3A_480 : i32 to vector<16xi32>
          %add3A_482 = arith.addi %select_n3A, %add3A_481 : vector<16xi32>
          %mul3A_483 = arith.mulf %exp3A_224, %mul3A_248 : vector<16xf32>
          tpu.vector_store_idx %arg11[%add3A_482], %mul3A_483 {add = true} : memref<66688xf32, #tpu.memory_space<vmem>>[vector<16xi32>], vector<16xf32>,
          %add3A_484 = arith.constant 36 : i32
          %add3A_485 = vector.broadcast %add3A_484 : i32 to vector<16xi32>
          %add3A_486 = arith.addi %select_n3A, %add3A_485 : vector<16xi32>
          %mul3A_487 = arith.mulf %exp3A_224, %mul3A_252 : vector<16xf32>
          tpu.vector_store_idx %arg11[%add3A_486], %mul3A_487 {add = true} : memref<66688xf32, #tpu.memory_space<vmem>>[vector<16xi32>], vector<16xf32>,
          %add3A_488 = arith.constant 37 : i32
          %add3A_489 = vector.broadcast %add3A_488 : i32 to vector<16xi32>
          %add3A_490 = arith.addi %select_n3A, %add3A_489 : vector<16xi32>
          %mul3A_491 = arith.mulf %exp3A_224, %mul3A_257 : vector<16xf32>
          tpu.vector_store_idx %arg11[%add3A_490], %mul3A_491 {add = true} : memref<66688xf32, #tpu.memory_space<vmem>>[vector<16xi32>], vector<16xf32>,
          %add3A_492 = arith.constant 38 : i32
          %add3A_493 = vector.broadcast %add3A_492 : i32 to vector<16xi32>
          %add3A_494 = arith.addi %select_n3A, %add3A_493 : vector<16xi32>
          %mul3A_495 = arith.mulf %exp3A_224, %mul3A_267 : vector<16xf32>
          tpu.vector_store_idx %arg11[%add3A_494], %mul3A_495 {add = true} : memref<66688xf32, #tpu.memory_space<vmem>>[vector<16xi32>], vector<16xf32>,
          %add3A_496 = arith.constant 39 : i32
          %add3A_497 = vector.broadcast %add3A_496 : i32 to vector<16xi32>
          %add3A_498 = arith.addi %select_n3A, %add3A_497 : vector<16xi32>
          %mul3A_499 = arith.mulf %exp3A_224, %mul3A_272 : vector<16xf32>
          tpu.vector_store_idx %arg11[%add3A_498], %mul3A_499 {add = true} : memref<66688xf32, #tpu.memory_space<vmem>>[vector<16xi32>], vector<16xf32>,
          %add3A_500 = arith.constant 40 : i32
          %add3A_501 = vector.broadcast %add3A_500 : i32 to vector<16xi32>
          %add3A_502 = arith.addi %select_n3A, %add3A_501 : vector<16xi32>
          %mul3A_503 = arith.mulf %exp3A_224, %mul3A_277 : vector<16xf32>
          tpu.vector_store_idx %arg11[%add3A_502], %mul3A_503 {add = true} : memref<66688xf32, #tpu.memory_space<vmem>>[vector<16xi32>], vector<16xf32>,
          %add3A_504 = arith.constant 41 : i32
          %add3A_505 = vector.broadcast %add3A_504 : i32 to vector<16xi32>
          %add3A_506 = arith.addi %select_n3A, %add3A_505 : vector<16xi32>
          %mul3A_507 = arith.mulf %exp3A_224, %mul3A_286 : vector<16xf32>
          tpu.vector_store_idx %arg11[%add3A_506], %mul3A_507 {add = true} : memref<66688xf32, #tpu.memory_space<vmem>>[vector<16xi32>], vector<16xf32>,
          %add3A_508 = arith.constant 42 : i32
          %add3A_509 = vector.broadcast %add3A_508 : i32 to vector<16xi32>
          %add3A_510 = arith.addi %select_n3A, %add3A_509 : vector<16xi32>
          %mul3A_511 = arith.mulf %exp3A_224, %mul3A_291 : vector<16xf32>
          tpu.vector_store_idx %arg11[%add3A_510], %mul3A_511 {add = true} : memref<66688xf32, #tpu.memory_space<vmem>>[vector<16xi32>], vector<16xf32>,
          %add3A_512 = arith.constant 43 : i32
          %add3A_513 = vector.broadcast %add3A_512 : i32 to vector<16xi32>
          %add3A_514 = arith.addi %select_n3A, %add3A_513 : vector<16xi32>
          %mul3A_515 = arith.mulf %exp3A_224, %mul3A_302 : vector<16xf32>
          tpu.vector_store_idx %arg11[%add3A_514], %mul3A_515 {add = true} : memref<66688xf32, #tpu.memory_space<vmem>>[vector<16xi32>], vector<16xf32>,
          %add3A_516 = arith.constant 44 : i32
          %add3A_517 = vector.broadcast %add3A_516 : i32 to vector<16xi32>
          %add3A_518 = arith.addi %select_n3A, %add3A_517 : vector<16xi32>
          %mul3A_519 = arith.mulf %exp3A_224, %mul3A_313 : vector<16xf32>
          tpu.vector_store_idx %arg11[%add3A_518], %mul3A_519 {add = true} : memref<66688xf32, #tpu.memory_space<vmem>>[vector<16xi32>], vector<16xf32>,
          %add3A_520 = arith.constant 45 : i32
          %add3A_521 = vector.broadcast %add3A_520 : i32 to vector<16xi32>
          %add3A_522 = arith.addi %select_n3A, %add3A_521 : vector<16xi32>
          %mul3A_523 = arith.mulf %exp3A_224, %mul3A_324 : vector<16xf32>
          tpu.vector_store_idx %arg11[%add3A_522], %mul3A_523 {add = true} : memref<66688xf32, #tpu.memory_space<vmem>>[vector<16xi32>], vector<16xf32>,
          %add3A_524 = arith.constant 46 : i32
          %add3A_525 = vector.broadcast %add3A_524 : i32 to vector<16xi32>
          %add3A_526 = arith.addi %select_n3A, %add3A_525 : vector<16xi32>
          %mul3A_527 = arith.mulf %exp3A_224, %mul3A_330 : vector<16xf32>
          tpu.vector_store_idx %arg11[%add3A_526], %mul3A_527 {add = true} : memref<66688xf32, #tpu.memory_space<vmem>>[vector<16xi32>], vector<16xf32>,
          %add3A_528 = arith.constant 47 : i32
          %add3A_529 = vector.broadcast %add3A_528 : i32 to vector<16xi32>
          %add3A_530 = arith.addi %select_n3A, %add3A_529 : vector<16xi32>
          %mul3A_531 = arith.mulf %exp3A_224, %mul3A_339 : vector<16xf32>
          tpu.vector_store_idx %arg11[%add3A_530], %mul3A_531 {add = true} : memref<66688xf32, #tpu.memory_space<vmem>>[vector<16xi32>], vector<16xf32>,
          %add3A_532 = arith.constant 48 : i32
          %add3A_533 = vector.broadcast %add3A_532 : i32 to vector<16xi32>
          %add3A_534 = arith.addi %select_n3A, %add3A_533 : vector<16xi32>
          %mul3A_535 = arith.mulf %exp3A_229, %mul3A_236 : vector<16xf32>
          tpu.vector_store_idx %arg11[%add3A_534], %mul3A_535 {add = true} : memref<66688xf32, #tpu.memory_space<vmem>>[vector<16xi32>], vector<16xf32>,
          %add3A_536 = arith.constant 49 : i32
          %add3A_537 = vector.broadcast %add3A_536 : i32 to vector<16xi32>
          %add3A_538 = arith.addi %select_n3A, %add3A_537 : vector<16xi32>
          %mul3A_539 = arith.mulf %exp3A_229, %mul3A_240 : vector<16xf32>
          tpu.vector_store_idx %arg11[%add3A_538], %mul3A_539 {add = true} : memref<66688xf32, #tpu.memory_space<vmem>>[vector<16xi32>], vector<16xf32>,
          %add3A_540 = arith.constant 50 : i32
          %add3A_541 = vector.broadcast %add3A_540 : i32 to vector<16xi32>
          %add3A_542 = arith.addi %select_n3A, %add3A_541 : vector<16xi32>
          %mul3A_543 = arith.mulf %exp3A_229, %mul3A_244 : vector<16xf32>
          tpu.vector_store_idx %arg11[%add3A_542], %mul3A_543 {add = true} : memref<66688xf32, #tpu.memory_space<vmem>>[vector<16xi32>], vector<16xf32>,
          %add3A_544 = arith.constant 51 : i32
          %add3A_545 = vector.broadcast %add3A_544 : i32 to vector<16xi32>
          %add3A_546 = arith.addi %select_n3A, %add3A_545 : vector<16xi32>
          %mul3A_547 = arith.mulf %exp3A_229, %mul3A_248 : vector<16xf32>
          tpu.vector_store_idx %arg11[%add3A_546], %mul3A_547 {add = true} : memref<66688xf32, #tpu.memory_space<vmem>>[vector<16xi32>], vector<16xf32>,
          %add3A_548 = arith.constant 52 : i32
          %add3A_549 = vector.broadcast %add3A_548 : i32 to vector<16xi32>
          %add3A_550 = arith.addi %select_n3A, %add3A_549 : vector<16xi32>
          %mul3A_551 = arith.mulf %exp3A_229, %mul3A_252 : vector<16xf32>
          tpu.vector_store_idx %arg11[%add3A_550], %mul3A_551 {add = true} : memref<66688xf32, #tpu.memory_space<vmem>>[vector<16xi32>], vector<16xf32>,
          %add3A_552 = arith.constant 53 : i32
          %add3A_553 = vector.broadcast %add3A_552 : i32 to vector<16xi32>
          %add3A_554 = arith.addi %select_n3A, %add3A_553 : vector<16xi32>
          %mul3A_555 = arith.mulf %exp3A_229, %mul3A_257 : vector<16xf32>
          tpu.vector_store_idx %arg11[%add3A_554], %mul3A_555 {add = true} : memref<66688xf32, #tpu.memory_space<vmem>>[vector<16xi32>], vector<16xf32>,
          %add3A_556 = arith.constant 54 : i32
          %add3A_557 = vector.broadcast %add3A_556 : i32 to vector<16xi32>
          %add3A_558 = arith.addi %select_n3A, %add3A_557 : vector<16xi32>
          %mul3A_559 = arith.mulf %exp3A_229, %mul3A_267 : vector<16xf32>
          tpu.vector_store_idx %arg11[%add3A_558], %mul3A_559 {add = true} : memref<66688xf32, #tpu.memory_space<vmem>>[vector<16xi32>], vector<16xf32>,
          %add3A_560 = arith.constant 55 : i32
          %add3A_561 = vector.broadcast %add3A_560 : i32 to vector<16xi32>
          %add3A_562 = arith.addi %select_n3A, %add3A_561 : vector<16xi32>
          %mul3A_563 = arith.mulf %exp3A_229, %mul3A_272 : vector<16xf32>
          tpu.vector_store_idx %arg11[%add3A_562], %mul3A_563 {add = true} : memref<66688xf32, #tpu.memory_space<vmem>>[vector<16xi32>], vector<16xf32>,
          %add3A_564 = arith.constant 56 : i32
          %add3A_565 = vector.broadcast %add3A_564 : i32 to vector<16xi32>
          %add3A_566 = arith.addi %select_n3A, %add3A_565 : vector<16xi32>
          %mul3A_567 = arith.mulf %exp3A_229, %mul3A_277 : vector<16xf32>
          tpu.vector_store_idx %arg11[%add3A_566], %mul3A_567 {add = true} : memref<66688xf32, #tpu.memory_space<vmem>>[vector<16xi32>], vector<16xf32>,
          %add3A_568 = arith.constant 57 : i32
          %add3A_569 = vector.broadcast %add3A_568 : i32 to vector<16xi32>
          %add3A_570 = arith.addi %select_n3A, %add3A_569 : vector<16xi32>
          %mul3A_571 = arith.mulf %exp3A_229, %mul3A_286 : vector<16xf32>
          tpu.vector_store_idx %arg11[%add3A_570], %mul3A_571 {add = true} : memref<66688xf32, #tpu.memory_space<vmem>>[vector<16xi32>], vector<16xf32>,
          %add3A_572 = arith.constant 58 : i32
          %add3A_573 = vector.broadcast %add3A_572 : i32 to vector<16xi32>
          %add3A_574 = arith.addi %select_n3A, %add3A_573 : vector<16xi32>
          %mul3A_575 = arith.mulf %exp3A_229, %mul3A_291 : vector<16xf32>
          tpu.vector_store_idx %arg11[%add3A_574], %mul3A_575 {add = true} : memref<66688xf32, #tpu.memory_space<vmem>>[vector<16xi32>], vector<16xf32>,
          %add3A_576 = arith.constant 59 : i32
          %add3A_577 = vector.broadcast %add3A_576 : i32 to vector<16xi32>
          %add3A_578 = arith.addi %select_n3A, %add3A_577 : vector<16xi32>
          %mul3A_579 = arith.mulf %exp3A_229, %mul3A_302 : vector<16xf32>
          tpu.vector_store_idx %arg11[%add3A_578], %mul3A_579 {add = true} : memref<66688xf32, #tpu.memory_space<vmem>>[vector<16xi32>], vector<16xf32>,
          %add3A_580 = arith.constant 60 : i32
          %add3A_581 = vector.broadcast %add3A_580 : i32 to vector<16xi32>
          %add3A_582 = arith.addi %select_n3A, %add3A_581 : vector<16xi32>
          %mul3A_583 = arith.mulf %exp3A_229, %mul3A_313 : vector<16xf32>
          tpu.vector_store_idx %arg11[%add3A_582], %mul3A_583 {add = true} : memref<66688xf32, #tpu.memory_space<vmem>>[vector<16xi32>], vector<16xf32>,
          %add3A_584 = arith.constant 61 : i32
          %add3A_585 = vector.broadcast %add3A_584 : i32 to vector<16xi32>
          %add3A_586 = arith.addi %select_n3A, %add3A_585 : vector<16xi32>
          %mul3A_587 = arith.mulf %exp3A_229, %mul3A_324 : vector<16xf32>
          tpu.vector_store_idx %arg11[%add3A_586], %mul3A_587 {add = true} : memref<66688xf32, #tpu.memory_space<vmem>>[vector<16xi32>], vector<16xf32>,
          %add3A_588 = arith.constant 62 : i32
          %add3A_589 = vector.broadcast %add3A_588 : i32 to vector<16xi32>
          %add3A_590 = arith.addi %select_n3A, %add3A_589 : vector<16xi32>
          %mul3A_591 = arith.mulf %exp3A_229, %mul3A_330 : vector<16xf32>
          tpu.vector_store_idx %arg11[%add3A_590], %mul3A_591 {add = true} : memref<66688xf32, #tpu.memory_space<vmem>>[vector<16xi32>], vector<16xf32>,
          %add3A_592 = arith.constant 63 : i32
          %add3A_593 = vector.broadcast %add3A_592 : i32 to vector<16xi32>
          %add3A_594 = arith.addi %select_n3A, %add3A_593 : vector<16xi32>
          %mul3A_595 = arith.mulf %exp3A_229, %mul3A_339 : vector<16xf32>
          tpu.vector_store_idx %arg11[%add3A_594], %mul3A_595 {add = true} : memref<66688xf32, #tpu.memory_space<vmem>>[vector<16xi32>], vector<16xf32>,
          %scan3A_596 = arith.constant 0 : i32
          scf.yield %scan3A_596 : i32
        }
        %scan3A_94 = arith.constant 61 : i32
        %while3A_95 = arith.constant 0 : i32
        scf.yield %while3A_95 : i32
      }
      %while3A_41 = arith.constant 1 : i32
      %while3A_42 = scf.for %while3A_57 = %while3A_38 to %while3A_34 step %while3A_41 iter_args(%while3A_58 = %while3A_40) -> (i32)  : i32 {
        %mul3A_59 = arith.constant 976 : i32
        %mul3A_60 = arith.muli %while3A_57, %mul3A_59 : i32
        %add3A_61 = arith.addi %and3A_28, %mul3A_60 : i32
        %min3A = arith.constant 799024 : i32
        %min3A_62 = arith.minsi %add3A_61, %min3A : i32
        %multiple_of3A = tpu.assume_multiple %min3A_62, 8 : i32
        %max3A = arith.maxsi %squeeze3A, %add3A_61 : i32
        %add3A_63 = arith.constant 976 : i32
        %add3A_64 = arith.addi %add3A_61, %add3A_63 : i32
        %min3A_65 = arith.minsi %squeeze3A_20, %add3A_64 : i32
        %dma_start3A = tpu.memref_slice %arg2[%multiple_of3A] : memref<800000xf32, #tpu.memory_space<hbm>> -> memref<976xf32, #tpu.memory_space<hbm>>
        %dma_start3A_66 = tpu.memref_slice %arg2[%multiple_of3A] : memref<800000xf32, #tpu.memory_space<hbm>> -> memref<976xf32, #tpu.memory_space<hbm>>
        tpu.enqueue_dma source(%dma_start3A_66 : memref<976xf32, #tpu.memory_space<hbm>>) target(%arg12 : memref<976xf32, #tpu.memory_space<vmem>>) target_semaphore(%arg20 : memref<!tpu.dma_semaphore, #tpu.memory_space<semaphore_mem>>)
        %dma_start3A_67 = tpu.memref_slice %arg3[%multiple_of3A] : memref<800000xf32, #tpu.memory_space<hbm>> -> memref<976xf32, #tpu.memory_space<hbm>>
        %dma_start3A_68 = tpu.memref_slice %arg3[%multiple_of3A] : memref<800000xf32, #tpu.memory_space<hbm>> -> memref<976xf32, #tpu.memory_space<hbm>>
        tpu.enqueue_dma source(%dma_start3A_68 : memref<976xf32, #tpu.memory_space<hbm>>) target(%arg13 : memref<976xf32, #tpu.memory_space<vmem>>) target_semaphore(%arg20 : memref<!tpu.dma_semaphore, #tpu.memory_space<semaphore_mem>>)
        %dma_start3A_69 = tpu.memref_slice %arg4[%multiple_of3A] : memref<800000xf32, #tpu.memory_space<hbm>> -> memref<976xf32, #tpu.memory_space<hbm>>
        %dma_start3A_70 = tpu.memref_slice %arg4[%multiple_of3A] : memref<800000xf32, #tpu.memory_space<hbm>> -> memref<976xf32, #tpu.memory_space<hbm>>
        tpu.enqueue_dma source(%dma_start3A_70 : memref<976xf32, #tpu.memory_space<hbm>>) target(%arg14 : memref<976xf32, #tpu.memory_space<vmem>>) target_semaphore(%arg20 : memref<!tpu.dma_semaphore, #tpu.memory_space<semaphore_mem>>)
        %dma_start3A_71 = tpu.memref_slice %arg5[%multiple_of3A] : memref<800000xf32, #tpu.memory_space<hbm>> -> memref<976xf32, #tpu.memory_space<hbm>>
        %dma_start3A_72 = tpu.memref_slice %arg5[%multiple_of3A] : memref<800000xf32, #tpu.memory_space<hbm>> -> memref<976xf32, #tpu.memory_space<hbm>>
        tpu.enqueue_dma source(%dma_start3A_72 : memref<976xf32, #tpu.memory_space<hbm>>) target(%arg15 : memref<976xf32, #tpu.memory_space<vmem>>) target_semaphore(%arg20 : memref<!tpu.dma_semaphore, #tpu.memory_space<semaphore_mem>>)
        %dma_start3A_73 = tpu.memref_slice %arg6[%multiple_of3A] : memref<800000xi32, #tpu.memory_space<hbm>> -> memref<976xi32, #tpu.memory_space<hbm>>
        %dma_start3A_74 = tpu.memref_slice %arg6[%multiple_of3A] : memref<800000xi32, #tpu.memory_space<hbm>> -> memref<976xi32, #tpu.memory_space<hbm>>
        tpu.enqueue_dma source(%dma_start3A_74 : memref<976xi32, #tpu.memory_space<hbm>>) target(%arg16 : memref<976xi32, #tpu.memory_space<vmem>>) target_semaphore(%arg20 : memref<!tpu.dma_semaphore, #tpu.memory_space<semaphore_mem>>)
        %dma_start3A_75 = tpu.memref_slice %arg7[%multiple_of3A] : memref<800000xi32, #tpu.memory_space<hbm>> -> memref<976xi32, #tpu.memory_space<hbm>>
        %dma_start3A_76 = tpu.memref_slice %arg7[%multiple_of3A] : memref<800000xi32, #tpu.memory_space<hbm>> -> memref<976xi32, #tpu.memory_space<hbm>>
        tpu.enqueue_dma source(%dma_start3A_76 : memref<976xi32, #tpu.memory_space<hbm>>) target(%arg17 : memref<976xi32, #tpu.memory_space<vmem>>) target_semaphore(%arg20 : memref<!tpu.dma_semaphore, #tpu.memory_space<semaphore_mem>>)
        %dma_wait3A = tpu.memref_slice %arg2[%multiple_of3A] : memref<800000xf32, #tpu.memory_space<hbm>> -> memref<976xf32, #tpu.memory_space<hbm>>
        %dma_wait3A_77 = tpu.memref_slice %arg2[%multiple_of3A] : memref<800000xf32, #tpu.memory_space<hbm>> -> memref<976xf32, #tpu.memory_space<hbm>>
        tpu.wait_dma2 semaphore(%arg20 : memref<!tpu.dma_semaphore, #tpu.memory_space<semaphore_mem>>) src(%dma_wait3A_77 : memref<976xf32, #tpu.memory_space<hbm>>) dst(%arg12 : memref<976xf32, #tpu.memory_space<vmem>>)
        %dma_wait3A_78 = tpu.memref_slice %arg3[%multiple_of3A] : memref<800000xf32, #tpu.memory_space<hbm>> -> memref<976xf32, #tpu.memory_space<hbm>>
        %dma_wait3A_79 = tpu.memref_slice %arg3[%multiple_of3A] : memref<800000xf32, #tpu.memory_space<hbm>> -> memref<976xf32, #tpu.memory_space<hbm>>
        tpu.wait_dma2 semaphore(%arg20 : memref<!tpu.dma_semaphore, #tpu.memory_space<semaphore_mem>>) src(%dma_wait3A_79 : memref<976xf32, #tpu.memory_space<hbm>>) dst(%arg13 : memref<976xf32, #tpu.memory_space<vmem>>)
        %dma_wait3A_80 = tpu.memref_slice %arg4[%multiple_of3A] : memref<800000xf32, #tpu.memory_space<hbm>> -> memref<976xf32, #tpu.memory_space<hbm>>
        %dma_wait3A_81 = tpu.memref_slice %arg4[%multiple_of3A] : memref<800000xf32, #tpu.memory_space<hbm>> -> memref<976xf32, #tpu.memory_space<hbm>>
        tpu.wait_dma2 semaphore(%arg20 : memref<!tpu.dma_semaphore, #tpu.memory_space<semaphore_mem>>) src(%dma_wait3A_81 : memref<976xf32, #tpu.memory_space<hbm>>) dst(%arg14 : memref<976xf32, #tpu.memory_space<vmem>>)
        %dma_wait3A_82 = tpu.memref_slice %arg5[%multiple_of3A] : memref<800000xf32, #tpu.memory_space<hbm>> -> memref<976xf32, #tpu.memory_space<hbm>>
        %dma_wait3A_83 = tpu.memref_slice %arg5[%multiple_of3A] : memref<800000xf32, #tpu.memory_space<hbm>> -> memref<976xf32, #tpu.memory_space<hbm>>
        tpu.wait_dma2 semaphore(%arg20 : memref<!tpu.dma_semaphore, #tpu.memory_space<semaphore_mem>>) src(%dma_wait3A_83 : memref<976xf32, #tpu.memory_space<hbm>>) dst(%arg15 : memref<976xf32, #tpu.memory_space<vmem>>)
        %dma_wait3A_84 = tpu.memref_slice %arg6[%multiple_of3A] : memref<800000xi32, #tpu.memory_space<hbm>> -> memref<976xi32, #tpu.memory_space<hbm>>
        %dma_wait3A_85 = tpu.memref_slice %arg6[%multiple_of3A] : memref<800000xi32, #tpu.memory_space<hbm>> -> memref<976xi32, #tpu.memory_space<hbm>>
        tpu.wait_dma2 semaphore(%arg20 : memref<!tpu.dma_semaphore, #tpu.memory_space<semaphore_mem>>) src(%dma_wait3A_85 : memref<976xi32, #tpu.memory_space<hbm>>) dst(%arg16 : memref<976xi32, #tpu.memory_space<vmem>>)
        %dma_wait3A_86 = tpu.memref_slice %arg7[%multiple_of3A] : memref<800000xi32, #tpu.memory_space<hbm>> -> memref<976xi32, #tpu.memory_space<hbm>>
        %dma_wait3A_87 = tpu.memref_slice %arg7[%multiple_of3A] : memref<800000xi32, #tpu.memory_space<hbm>> -> memref<976xi32, #tpu.memory_space<hbm>>
        tpu.wait_dma2 semaphore(%arg20 : memref<!tpu.dma_semaphore, #tpu.memory_space<semaphore_mem>>) src(%dma_wait3A_87 : memref<976xi32, #tpu.memory_space<hbm>>) dst(%arg17 : memref<976xi32, #tpu.memory_space<vmem>>)
        %scan3A_88 = arith.constant 0 : i32
        %scan3A_89 = arith.constant 0 : i32
        %scan3A_90 = arith.constant 61 : i32
        %scan3A_91 = arith.addi %scan3A_89, %scan3A_90 : i32
        %scan3A_92 = arith.constant 1 : i32
        %scan3A_93 = scf.for %scan3A_96 = %scan3A_89 to %scan3A_91 step %scan3A_92 iter_args(%scan3A_97 = %scan3A_88) -> (i32)  : i32 {
          %add3A_98 = vector.broadcast %scan3A_96 : i32 to vector<16xi32>
          %add3A_99 = arith.addi %add3A_98, %mul3A_3 : vector<16xi32>
          %gather3A = tpu.vector_load_idx %arg12[%add3A_99] : memref<976xf32, #tpu.memory_space<vmem>>[vector<16xi32>], vector<16xf32>,
          %gather3A_100 = tpu.vector_load_idx %arg13[%add3A_99] : memref<976xf32, #tpu.memory_space<vmem>>[vector<16xi32>], vector<16xf32>,
          %gather3A_101 = tpu.vector_load_idx %arg14[%add3A_99] : memref<976xf32, #tpu.memory_space<vmem>>[vector<16xi32>], vector<16xf32>,
          %gather3A_102 = tpu.vector_load_idx %arg15[%add3A_99] : memref<976xf32, #tpu.memory_space<vmem>>[vector<16xi32>], vector<16xf32>,
          %gather3A_103 = tpu.vector_load_idx %arg16[%add3A_99] : memref<976xi32, #tpu.memory_space<vmem>>[vector<16xi32>], vector<16xi32>,
          %gather3A_104 = tpu.vector_load_idx %arg17[%add3A_99] : memref<976xi32, #tpu.memory_space<vmem>>[vector<16xi32>], vector<16xi32>,
          %shift_right_logical3A = arith.constant 4 : i32
          %shift_right_logical3A_105 = vector.broadcast %shift_right_logical3A : i32 to vector<16xi32>
          %shift_right_logical3A_106 = arith.shrui %gather3A_104, %shift_right_logical3A_105 : vector<16xi32>
          %gather3A_107 = tpu.vector_load_idx %arg18[%shift_right_logical3A_106] : memref<3200xi32, #tpu.memory_space<vmem>>[vector<16xi32>], vector<16xi32>,
          %and3A_108 = arith.constant 15 : i32
          %and3A_109 = vector.broadcast %and3A_108 : i32 to vector<16xi32>
          %and3A_110 = arith.andi %gather3A_104, %and3A_109 : vector<16xi32>
          %shift_left3A = arith.constant 1 : i32
          %shift_left3A_111 = vector.broadcast %shift_left3A : i32 to vector<16xi32>
          %shift_left3A_112 = arith.shli %and3A_110, %shift_left3A_111 : vector<16xi32>
          %shift_right_logical3A_113 = arith.shrui %gather3A_107, %shift_left3A_112 : vector<16xi32>
          %and3A_114 = arith.constant 3 : i32
          %and3A_115 = vector.broadcast %and3A_114 : i32 to vector<16xi32>
          %and3A_116 = arith.andi %shift_right_logical3A_113, %and3A_115 : vector<16xi32>
          %add3A_117 = vector.broadcast %multiple_of3A : i32 to vector<16xi32>
          %add3A_118 = arith.addi %add3A_117, %add3A_99 : vector<16xi32>
          %ge3A = vector.broadcast %max3A : i32 to vector<16xi32>
          %ge3A_119 = arith.cmpi sge, %add3A_118, %ge3A : vector<16xi32>
          %lt3A_120 = vector.broadcast %min3A_65 : i32 to vector<16xi32>
          %lt3A_121 = arith.cmpi slt, %add3A_118, %lt3A_120 : vector<16xi32>
          %and3A_122 = arith.andi %ge3A_119, %lt3A_121 : vector<16xi1>
          %sub3A_123 = vector.broadcast %mul3A_17 : i32 to vector<16xi32>
          %sub3A_124 = arith.subi %gather3A_103, %sub3A_123 : vector<16xi32>
          %mul3A_125 = arith.constant 4 : i32
          %mul3A_126 = vector.broadcast %mul3A_125 : i32 to vector<16xi32>
          %mul3A_127 = arith.muli %sub3A_124, %mul3A_126 : vector<16xi32>
          %add3A_128 = arith.addi %mul3A_127, %and3A_116 : vector<16xi32>
          %mul3A_129 = arith.constant 65 : i32
          %mul3A_130 = vector.broadcast %mul3A_129 : i32 to vector<16xi32>
          %mul3A_131 = arith.muli %add3A_128, %mul3A_130 : vector<16xi32>
          %jit3A = arith.constant 66560 : i32
          %broadcast_in_dim3A_132 = vector.broadcast %jit3A : i32 to vector<16xi32>
          %select_n3A = arith.select %and3A_122, %mul3A_131, %broadcast_in_dim3A_132 : vector<16xi1>, vector<16xi32>
          %sub3A_133 = arith.constant 4.500000e+00 : f32
          %sub3A_134 = vector.broadcast %sub3A_133 : f32 to vector<16xf32>
          %sub3A_135 = arith.subf %gather3A, %sub3A_134 : vector<16xf32>
          %mul3A_136 = arith.constant 2.000000e+00 : f32
          %mul3A_137 = vector.broadcast %mul3A_136 : f32 to vector<16xf32>
          %mul3A_138 = arith.mulf %sub3A_135, %mul3A_137 : vector<16xf32>
          %jit3A_139 = arith.constant 0.000000e+00 : f32
          %jit3A_140 = arith.constant 1.000000e+00 : f32
          %max3A_141 = vector.broadcast %jit3A_139 : f32 to vector<16xf32>
          %max3A_142 = arith.maximumf %max3A_141, %mul3A_138 : vector<16xf32>
          %min3A_143 = vector.broadcast %jit3A_140 : f32 to vector<16xf32>
          %min3A_144 = arith.minimumf %min3A_143, %max3A_142 : vector<16xf32>
          %sub3A_145 = arith.constant 5.000000e-01 : f32
          %sub3A_146 = vector.broadcast %sub3A_145 : f32 to vector<16xf32>
          %sub3A_147 = arith.subf %min3A_144, %sub3A_146 : vector<16xf32>
          %mul3A_148 = arith.constant 3.14159274 : f32
          %mul3A_149 = vector.broadcast %mul3A_148 : f32 to vector<16xf32>
          %mul3A_150 = arith.mulf %sub3A_147, %mul3A_149 : vector<16xf32>
          %mul3A_151 = arith.mulf %mul3A_150, %mul3A_150 : vector<16xf32>
          %mul3A_152 = arith.constant -2.50521079E-8 : f32
          %mul3A_153 = vector.broadcast %mul3A_152 : f32 to vector<16xf32>
          %mul3A_154 = arith.mulf %mul3A_151, %mul3A_153 : vector<16xf32>
          %add3A_155 = arith.constant 2.75573188E-6 : f32
          %add3A_156 = vector.broadcast %add3A_155 : f32 to vector<16xf32>
          %add3A_157 = arith.addf %add3A_156, %mul3A_154 : vector<16xf32>
          %mul3A_158 = arith.mulf %mul3A_151, %add3A_157 : vector<16xf32>
          %add3A_159 = arith.constant -1.98412701E-4 : f32
          %add3A_160 = vector.broadcast %add3A_159 : f32 to vector<16xf32>
          %add3A_161 = arith.addf %add3A_160, %mul3A_158 : vector<16xf32>
          %mul3A_162 = arith.mulf %mul3A_151, %add3A_161 : vector<16xf32>
          %add3A_163 = arith.constant 0.00833333377 : f32
          %add3A_164 = vector.broadcast %add3A_163 : f32 to vector<16xf32>
          %add3A_165 = arith.addf %add3A_164, %mul3A_162 : vector<16xf32>
          %mul3A_166 = arith.mulf %mul3A_151, %add3A_165 : vector<16xf32>
          %add3A_167 = arith.constant -0.166666672 : f32
          %add3A_168 = vector.broadcast %add3A_167 : f32 to vector<16xf32>
          %add3A_169 = arith.addf %add3A_168, %mul3A_166 : vector<16xf32>
          %mul3A_170 = arith.mulf %mul3A_151, %add3A_169 : vector<16xf32>
          %add3A_171 = arith.constant 1.000000e+00 : f32
          %add3A_172 = vector.broadcast %add3A_171 : f32 to vector<16xf32>
          %add3A_173 = arith.addf %add3A_172, %mul3A_170 : vector<16xf32>
          %mul3A_174 = arith.mulf %mul3A_150, %add3A_173 : vector<16xf32>
          %mul3A_175 = arith.constant 5.000000e-01 : f32
          %mul3A_176 = vector.broadcast %mul3A_175 : f32 to vector<16xf32>
          %mul3A_177 = arith.mulf %mul3A_176, %mul3A_174 : vector<16xf32>
          %sub3A_178 = arith.constant 5.000000e-01 : f32
          %sub3A_179 = vector.broadcast %sub3A_178 : f32 to vector<16xf32>
          %sub3A_180 = arith.subf %sub3A_179, %mul3A_177 : vector<16xf32>
          %lt3A_181 = arith.constant 4.500000e+00 : f32
          %lt3A_182 = vector.broadcast %lt3A_181 : f32 to vector<16xf32>
          %lt3A_183 = arith.cmpf olt, %gather3A, %lt3A_182 : vector<16xf32>
          %lt3A_184 = arith.constant 5.000000e+00 : f32
          %lt3A_185 = vector.broadcast %lt3A_184 : f32 to vector<16xf32>
          %lt3A_186 = arith.cmpf olt, %gather3A, %lt3A_185 : vector<16xf32>
          %jit3A_187 = arith.constant 0.000000e+00 : f32
          %broadcast_in_dim3A_188 = vector.broadcast %jit3A_187 : f32 to vector<16xf32>
          %select_n3A_189 = arith.select %lt3A_186, %sub3A_180, %broadcast_in_dim3A_188 : vector<16xi1>, vector<16xf32>
          %jit3A_190 = arith.constant 1.000000e+00 : f32
          %broadcast_in_dim3A_191 = vector.broadcast %jit3A_190 : f32 to vector<16xf32>
          %select_n3A_192 = arith.select %lt3A_183, %broadcast_in_dim3A_191, %select_n3A_189 : vector<16xi1>, vector<16xf32>
          %mul3A_193 = arith.constant 2.000000e-01 : f32
          %mul3A_194 = vector.broadcast %mul3A_193 : f32 to vector<16xf32>
          %mul3A_195 = arith.mulf %gather3A, %mul3A_194 : vector<16xf32>
          %max3A_196 = arith.constant 9.99999997E-7 : f32
          %max3A_197 = vector.broadcast %max3A_196 : f32 to vector<16xf32>
          %max3A_198 = arith.maximumf %mul3A_195, %max3A_197 : vector<16xf32>
          %mul3A_199 = arith.mulf %select_n3A_192, %max3A_198 : vector<16xf32>
          %mul3A_200 = arith.mulf %mul3A_199, %max3A_198 : vector<16xf32>
          %mul3A_201 = arith.mulf %mul3A_200, %max3A_198 : vector<16xf32>
          %sub3A_202 = arith.constant 1.66666663 : f32
          %sub3A_203 = vector.broadcast %sub3A_202 : f32 to vector<16xf32>
          %sub3A_204 = arith.subf %gather3A, %sub3A_203 : vector<16xf32>
          %sub3A_205 = arith.constant 3.33333325 : f32
          %sub3A_206 = vector.broadcast %sub3A_205 : f32 to vector<16xf32>
          %sub3A_207 = arith.subf %gather3A, %sub3A_206 : vector<16xf32>
          %sub3A_208 = arith.constant 5.000000e+00 : f32
          %sub3A_209 = vector.broadcast %sub3A_208 : f32 to vector<16xf32>
          %sub3A_210 = arith.subf %gather3A, %sub3A_209 : vector<16xf32>
          %mul3A_211 = arith.mulf %gather3A, %gather3A : vector<16xf32>
          %mul3A_212 = arith.constant -2.000000e+00 : f32
          %mul3A_213 = vector.broadcast %mul3A_212 : f32 to vector<16xf32>
          %mul3A_214 = arith.mulf %mul3A_213, %mul3A_211 : vector<16xf32>
          %exp3A = math.exp %mul3A_214 : vector<16xf32>
          %mul3A_215 = arith.mulf %sub3A_204, %sub3A_204 : vector<16xf32>
          %mul3A_216 = arith.constant -2.000000e+00 : f32
          %mul3A_217 = vector.broadcast %mul3A_216 : f32 to vector<16xf32>
          %mul3A_218 = arith.mulf %mul3A_217, %mul3A_215 : vector<16xf32>
          %exp3A_219 = math.exp %mul3A_218 : vector<16xf32>
          %mul3A_220 = arith.mulf %sub3A_207, %sub3A_207 : vector<16xf32>
          %mul3A_221 = arith.constant -2.000000e+00 : f32
          %mul3A_222 = vector.broadcast %mul3A_221 : f32 to vector<16xf32>
          %mul3A_223 = arith.mulf %mul3A_222, %mul3A_220 : vector<16xf32>
          %exp3A_224 = math.exp %mul3A_223 : vector<16xf32>
          %mul3A_225 = arith.mulf %sub3A_210, %sub3A_210 : vector<16xf32>
          %mul3A_226 = arith.constant -2.000000e+00 : f32
          %mul3A_227 = vector.broadcast %mul3A_226 : f32 to vector<16xf32>
          %mul3A_228 = arith.mulf %mul3A_227, %mul3A_225 : vector<16xf32>
          %exp3A_229 = math.exp %mul3A_228 : vector<16xf32>
          %mul3A_230 = arith.mulf %gather3A_100, %gather3A_100 : vector<16xf32>
          %mul3A_231 = arith.mulf %gather3A_101, %gather3A_101 : vector<16xf32>
          %mul3A_232 = arith.mulf %gather3A_102, %gather3A_102 : vector<16xf32>
          %mul3A_233 = arith.mulf %gather3A_100, %gather3A_101 : vector<16xf32>
          %mul3A_234 = arith.constant 0.282094806 : f32
          %mul3A_235 = vector.broadcast %mul3A_234 : f32 to vector<16xf32>
          %mul3A_236 = arith.mulf %select_n3A_192, %mul3A_235 : vector<16xf32>
          %mul3A_237 = arith.constant 0.488602519 : f32
          %mul3A_238 = vector.broadcast %mul3A_237 : f32 to vector<16xf32>
          %mul3A_239 = arith.mulf %mul3A_199, %mul3A_238 : vector<16xf32>
          %mul3A_240 = arith.mulf %mul3A_239, %gather3A_101 : vector<16xf32>
          %mul3A_241 = arith.constant 0.488602519 : f32
          %mul3A_242 = vector.broadcast %mul3A_241 : f32 to vector<16xf32>
          %mul3A_243 = arith.mulf %mul3A_199, %mul3A_242 : vector<16xf32>
          %mul3A_244 = arith.mulf %mul3A_243, %gather3A_102 : vector<16xf32>
          %mul3A_245 = arith.constant 0.488602519 : f32
          %mul3A_246 = vector.broadcast %mul3A_245 : f32 to vector<16xf32>
          %mul3A_247 = arith.mulf %mul3A_199, %mul3A_246 : vector<16xf32>
          %mul3A_248 = arith.mulf %mul3A_247, %gather3A_100 : vector<16xf32>
          %mul3A_249 = arith.constant 1.09254849 : f32
          %mul3A_250 = vector.broadcast %mul3A_249 : f32 to vector<16xf32>
          %mul3A_251 = arith.mulf %mul3A_200, %mul3A_250 : vector<16xf32>
          %mul3A_252 = arith.mulf %mul3A_251, %mul3A_233 : vector<16xf32>
          %mul3A_253 = arith.constant 1.09254849 : f32
          %mul3A_254 = vector.broadcast %mul3A_253 : f32 to vector<16xf32>
          %mul3A_255 = arith.mulf %mul3A_200, %mul3A_254 : vector<16xf32>
          %mul3A_256 = arith.mulf %gather3A_101, %gather3A_102 : vector<16xf32>
          %mul3A_257 = arith.mulf %mul3A_255, %mul3A_256 : vector<16xf32>
          %mul3A_258 = arith.constant 0.31539157 : f32
          %mul3A_259 = vector.broadcast %mul3A_258 : f32 to vector<16xf32>
          %mul3A_260 = arith.mulf %mul3A_200, %mul3A_259 : vector<16xf32>
          %mul3A_261 = arith.constant 3.000000e+00 : f32
          %mul3A_262 = vector.broadcast %mul3A_261 : f32 to vector<16xf32>
          %mul3A_263 = arith.mulf %mul3A_262, %mul3A_232 : vector<16xf32>
          %sub3A_264 = arith.constant 1.000000e+00 : f32
          %sub3A_265 = vector.broadcast %sub3A_264 : f32 to vector<16xf32>
          %sub3A_266 = arith.subf %mul3A_263, %sub3A_265 : vector<16xf32>
          %mul3A_267 = arith.mulf %mul3A_260, %sub3A_266 : vector<16xf32>
          %mul3A_268 = arith.constant 1.09254849 : f32
          %mul3A_269 = vector.broadcast %mul3A_268 : f32 to vector<16xf32>
          %mul3A_270 = arith.mulf %mul3A_200, %mul3A_269 : vector<16xf32>
          %mul3A_271 = arith.mulf %gather3A_100, %gather3A_102 : vector<16xf32>
          %mul3A_272 = arith.mulf %mul3A_270, %mul3A_271 : vector<16xf32>
          %mul3A_273 = arith.constant 0.546274245 : f32
          %mul3A_274 = vector.broadcast %mul3A_273 : f32 to vector<16xf32>
          %mul3A_275 = arith.mulf %mul3A_200, %mul3A_274 : vector<16xf32>
          %sub3A_276 = arith.subf %mul3A_230, %mul3A_231 : vector<16xf32>
          %mul3A_277 = arith.mulf %mul3A_275, %sub3A_276 : vector<16xf32>
          %mul3A_278 = arith.constant 0.590043604 : f32
          %mul3A_279 = vector.broadcast %mul3A_278 : f32 to vector<16xf32>
          %mul3A_280 = arith.mulf %mul3A_201, %mul3A_279 : vector<16xf32>
          %mul3A_281 = arith.constant 3.000000e+00 : f32
          %mul3A_282 = vector.broadcast %mul3A_281 : f32 to vector<16xf32>
          %mul3A_283 = arith.mulf %mul3A_282, %mul3A_230 : vector<16xf32>
          %sub3A_284 = arith.subf %mul3A_283, %mul3A_231 : vector<16xf32>
          %mul3A_285 = arith.mulf %gather3A_101, %sub3A_284 : vector<16xf32>
          %mul3A_286 = arith.mulf %mul3A_280, %mul3A_285 : vector<16xf32>
          %mul3A_287 = arith.constant 2.89061141 : f32
          %mul3A_288 = vector.broadcast %mul3A_287 : f32 to vector<16xf32>
          %mul3A_289 = arith.mulf %mul3A_201, %mul3A_288 : vector<16xf32>
          %mul3A_290 = arith.mulf %mul3A_233, %gather3A_102 : vector<16xf32>
          %mul3A_291 = arith.mulf %mul3A_289, %mul3A_290 : vector<16xf32>
          %mul3A_292 = arith.constant 0.457045794 : f32
          %mul3A_293 = vector.broadcast %mul3A_292 : f32 to vector<16xf32>
          %mul3A_294 = arith.mulf %mul3A_201, %mul3A_293 : vector<16xf32>
          %mul3A_295 = arith.constant 5.000000e+00 : f32
          %mul3A_296 = vector.broadcast %mul3A_295 : f32 to vector<16xf32>
          %mul3A_297 = arith.mulf %mul3A_296, %mul3A_232 : vector<16xf32>
          %sub3A_298 = arith.constant 1.000000e+00 : f32
          %sub3A_299 = vector.broadcast %sub3A_298 : f32 to vector<16xf32>
          %sub3A_300 = arith.subf %mul3A_297, %sub3A_299 : vector<16xf32>
          %mul3A_301 = arith.mulf %gather3A_101, %sub3A_300 : vector<16xf32>
          %mul3A_302 = arith.mulf %mul3A_294, %mul3A_301 : vector<16xf32>
          %mul3A_303 = arith.constant 0.373176336 : f32
          %mul3A_304 = vector.broadcast %mul3A_303 : f32 to vector<16xf32>
          %mul3A_305 = arith.mulf %mul3A_201, %mul3A_304 : vector<16xf32>
          %mul3A_306 = arith.constant 5.000000e+00 : f32
          %mul3A_307 = vector.broadcast %mul3A_306 : f32 to vector<16xf32>
          %mul3A_308 = arith.mulf %mul3A_307, %mul3A_232 : vector<16xf32>
          %sub3A_309 = arith.constant 3.000000e+00 : f32
          %sub3A_310 = vector.broadcast %sub3A_309 : f32 to vector<16xf32>
          %sub3A_311 = arith.subf %mul3A_308, %sub3A_310 : vector<16xf32>
          %mul3A_312 = arith.mulf %sub3A_311, %gather3A_102 : vector<16xf32>
          %mul3A_313 = arith.mulf %mul3A_305, %mul3A_312 : vector<16xf32>
          %mul3A_314 = arith.constant 0.457045794 : f32
          %mul3A_315 = vector.broadcast %mul3A_314 : f32 to vector<16xf32>
          %mul3A_316 = arith.mulf %mul3A_201, %mul3A_315 : vector<16xf32>
          %mul3A_317 = arith.constant 5.000000e+00 : f32
          %mul3A_318 = vector.broadcast %mul3A_317 : f32 to vector<16xf32>
          %mul3A_319 = arith.mulf %mul3A_318, %mul3A_232 : vector<16xf32>
          %sub3A_320 = arith.constant 1.000000e+00 : f32
          %sub3A_321 = vector.broadcast %sub3A_320 : f32 to vector<16xf32>
          %sub3A_322 = arith.subf %mul3A_319, %sub3A_321 : vector<16xf32>
          %mul3A_323 = arith.mulf %gather3A_100, %sub3A_322 : vector<16xf32>
          %mul3A_324 = arith.mulf %mul3A_316, %mul3A_323 : vector<16xf32>
          %mul3A_325 = arith.constant 1.44530571 : f32
          %mul3A_326 = vector.broadcast %mul3A_325 : f32 to vector<16xf32>
          %mul3A_327 = arith.mulf %mul3A_201, %mul3A_326 : vector<16xf32>
          %sub3A_328 = arith.subf %mul3A_230, %mul3A_231 : vector<16xf32>
          %mul3A_329 = arith.mulf %gather3A_102, %sub3A_328 : vector<16xf32>
          %mul3A_330 = arith.mulf %mul3A_327, %mul3A_329 : vector<16xf32>
          %mul3A_331 = arith.constant 0.590043604 : f32
          %mul3A_332 = vector.broadcast %mul3A_331 : f32 to vector<16xf32>
          %mul3A_333 = arith.mulf %mul3A_201, %mul3A_332 : vector<16xf32>
          %mul3A_334 = arith.constant 3.000000e+00 : f32
          %mul3A_335 = vector.broadcast %mul3A_334 : f32 to vector<16xf32>
          %mul3A_336 = arith.mulf %mul3A_335, %mul3A_231 : vector<16xf32>
          %sub3A_337 = arith.subf %mul3A_230, %mul3A_336 : vector<16xf32>
          %mul3A_338 = arith.mulf %gather3A_100, %sub3A_337 : vector<16xf32>
          %mul3A_339 = arith.mulf %mul3A_333, %mul3A_338 : vector<16xf32>
          %add3A_340 = arith.constant 0 : i32
          %add3A_341 = vector.broadcast %add3A_340 : i32 to vector<16xi32>
          %add3A_342 = arith.addi %select_n3A, %add3A_341 : vector<16xi32>
          %mul3A_343 = arith.mulf %exp3A, %mul3A_236 : vector<16xf32>
          tpu.vector_store_idx %arg11[%add3A_342], %mul3A_343 {add = true} : memref<66688xf32, #tpu.memory_space<vmem>>[vector<16xi32>], vector<16xf32>,
          %add3A_344 = arith.constant 1 : i32
          %add3A_345 = vector.broadcast %add3A_344 : i32 to vector<16xi32>
          %add3A_346 = arith.addi %select_n3A, %add3A_345 : vector<16xi32>
          %mul3A_347 = arith.mulf %exp3A, %mul3A_240 : vector<16xf32>
          tpu.vector_store_idx %arg11[%add3A_346], %mul3A_347 {add = true} : memref<66688xf32, #tpu.memory_space<vmem>>[vector<16xi32>], vector<16xf32>,
          %add3A_348 = arith.constant 2 : i32
          %add3A_349 = vector.broadcast %add3A_348 : i32 to vector<16xi32>
          %add3A_350 = arith.addi %select_n3A, %add3A_349 : vector<16xi32>
          %mul3A_351 = arith.mulf %exp3A, %mul3A_244 : vector<16xf32>
          tpu.vector_store_idx %arg11[%add3A_350], %mul3A_351 {add = true} : memref<66688xf32, #tpu.memory_space<vmem>>[vector<16xi32>], vector<16xf32>,
          %add3A_352 = arith.constant 3 : i32
          %add3A_353 = vector.broadcast %add3A_352 : i32 to vector<16xi32>
          %add3A_354 = arith.addi %select_n3A, %add3A_353 : vector<16xi32>
          %mul3A_355 = arith.mulf %exp3A, %mul3A_248 : vector<16xf32>
          tpu.vector_store_idx %arg11[%add3A_354], %mul3A_355 {add = true} : memref<66688xf32, #tpu.memory_space<vmem>>[vector<16xi32>], vector<16xf32>,
          %add3A_356 = arith.constant 4 : i32
          %add3A_357 = vector.broadcast %add3A_356 : i32 to vector<16xi32>
          %add3A_358 = arith.addi %select_n3A, %add3A_357 : vector<16xi32>
          %mul3A_359 = arith.mulf %exp3A, %mul3A_252 : vector<16xf32>
          tpu.vector_store_idx %arg11[%add3A_358], %mul3A_359 {add = true} : memref<66688xf32, #tpu.memory_space<vmem>>[vector<16xi32>], vector<16xf32>,
          %add3A_360 = arith.constant 5 : i32
          %add3A_361 = vector.broadcast %add3A_360 : i32 to vector<16xi32>
          %add3A_362 = arith.addi %select_n3A, %add3A_361 : vector<16xi32>
          %mul3A_363 = arith.mulf %exp3A, %mul3A_257 : vector<16xf32>
          tpu.vector_store_idx %arg11[%add3A_362], %mul3A_363 {add = true} : memref<66688xf32, #tpu.memory_space<vmem>>[vector<16xi32>], vector<16xf32>,
          %add3A_364 = arith.constant 6 : i32
          %add3A_365 = vector.broadcast %add3A_364 : i32 to vector<16xi32>
          %add3A_366 = arith.addi %select_n3A, %add3A_365 : vector<16xi32>
          %mul3A_367 = arith.mulf %exp3A, %mul3A_267 : vector<16xf32>
          tpu.vector_store_idx %arg11[%add3A_366], %mul3A_367 {add = true} : memref<66688xf32, #tpu.memory_space<vmem>>[vector<16xi32>], vector<16xf32>,
          %add3A_368 = arith.constant 7 : i32
          %add3A_369 = vector.broadcast %add3A_368 : i32 to vector<16xi32>
          %add3A_370 = arith.addi %select_n3A, %add3A_369 : vector<16xi32>
          %mul3A_371 = arith.mulf %exp3A, %mul3A_272 : vector<16xf32>
          tpu.vector_store_idx %arg11[%add3A_370], %mul3A_371 {add = true} : memref<66688xf32, #tpu.memory_space<vmem>>[vector<16xi32>], vector<16xf32>,
          %add3A_372 = arith.constant 8 : i32
          %add3A_373 = vector.broadcast %add3A_372 : i32 to vector<16xi32>
          %add3A_374 = arith.addi %select_n3A, %add3A_373 : vector<16xi32>
          %mul3A_375 = arith.mulf %exp3A, %mul3A_277 : vector<16xf32>
          tpu.vector_store_idx %arg11[%add3A_374], %mul3A_375 {add = true} : memref<66688xf32, #tpu.memory_space<vmem>>[vector<16xi32>], vector<16xf32>,
          %add3A_376 = arith.constant 9 : i32
          %add3A_377 = vector.broadcast %add3A_376 : i32 to vector<16xi32>
          %add3A_378 = arith.addi %select_n3A, %add3A_377 : vector<16xi32>
          %mul3A_379 = arith.mulf %exp3A, %mul3A_286 : vector<16xf32>
          tpu.vector_store_idx %arg11[%add3A_378], %mul3A_379 {add = true} : memref<66688xf32, #tpu.memory_space<vmem>>[vector<16xi32>], vector<16xf32>,
          %add3A_380 = arith.constant 10 : i32
          %add3A_381 = vector.broadcast %add3A_380 : i32 to vector<16xi32>
          %add3A_382 = arith.addi %select_n3A, %add3A_381 : vector<16xi32>
          %mul3A_383 = arith.mulf %exp3A, %mul3A_291 : vector<16xf32>
          tpu.vector_store_idx %arg11[%add3A_382], %mul3A_383 {add = true} : memref<66688xf32, #tpu.memory_space<vmem>>[vector<16xi32>], vector<16xf32>,
          %add3A_384 = arith.constant 11 : i32
          %add3A_385 = vector.broadcast %add3A_384 : i32 to vector<16xi32>
          %add3A_386 = arith.addi %select_n3A, %add3A_385 : vector<16xi32>
          %mul3A_387 = arith.mulf %exp3A, %mul3A_302 : vector<16xf32>
          tpu.vector_store_idx %arg11[%add3A_386], %mul3A_387 {add = true} : memref<66688xf32, #tpu.memory_space<vmem>>[vector<16xi32>], vector<16xf32>,
          %add3A_388 = arith.constant 12 : i32
          %add3A_389 = vector.broadcast %add3A_388 : i32 to vector<16xi32>
          %add3A_390 = arith.addi %select_n3A, %add3A_389 : vector<16xi32>
          %mul3A_391 = arith.mulf %exp3A, %mul3A_313 : vector<16xf32>
          tpu.vector_store_idx %arg11[%add3A_390], %mul3A_391 {add = true} : memref<66688xf32, #tpu.memory_space<vmem>>[vector<16xi32>], vector<16xf32>,
          %add3A_392 = arith.constant 13 : i32
          %add3A_393 = vector.broadcast %add3A_392 : i32 to vector<16xi32>
          %add3A_394 = arith.addi %select_n3A, %add3A_393 : vector<16xi32>
          %mul3A_395 = arith.mulf %exp3A, %mul3A_324 : vector<16xf32>
          tpu.vector_store_idx %arg11[%add3A_394], %mul3A_395 {add = true} : memref<66688xf32, #tpu.memory_space<vmem>>[vector<16xi32>], vector<16xf32>,
          %add3A_396 = arith.constant 14 : i32
          %add3A_397 = vector.broadcast %add3A_396 : i32 to vector<16xi32>
          %add3A_398 = arith.addi %select_n3A, %add3A_397 : vector<16xi32>
          %mul3A_399 = arith.mulf %exp3A, %mul3A_330 : vector<16xf32>
          tpu.vector_store_idx %arg11[%add3A_398], %mul3A_399 {add = true} : memref<66688xf32, #tpu.memory_space<vmem>>[vector<16xi32>], vector<16xf32>,
          %add3A_400 = arith.constant 15 : i32
          %add3A_401 = vector.broadcast %add3A_400 : i32 to vector<16xi32>
          %add3A_402 = arith.addi %select_n3A, %add3A_401 : vector<16xi32>
          %mul3A_403 = arith.mulf %exp3A, %mul3A_339 : vector<16xf32>
          tpu.vector_store_idx %arg11[%add3A_402], %mul3A_403 {add = true} : memref<66688xf32, #tpu.memory_space<vmem>>[vector<16xi32>], vector<16xf32>,
          %add3A_404 = arith.constant 16 : i32
          %add3A_405 = vector.broadcast %add3A_404 : i32 to vector<16xi32>
          %add3A_406 = arith.addi %select_n3A, %add3A_405 : vector<16xi32>
          %mul3A_407 = arith.mulf %exp3A_219, %mul3A_236 : vector<16xf32>
          tpu.vector_store_idx %arg11[%add3A_406], %mul3A_407 {add = true} : memref<66688xf32, #tpu.memory_space<vmem>>[vector<16xi32>], vector<16xf32>,
          %add3A_408 = arith.constant 17 : i32
          %add3A_409 = vector.broadcast %add3A_408 : i32 to vector<16xi32>
          %add3A_410 = arith.addi %select_n3A, %add3A_409 : vector<16xi32>
          %mul3A_411 = arith.mulf %exp3A_219, %mul3A_240 : vector<16xf32>
          tpu.vector_store_idx %arg11[%add3A_410], %mul3A_411 {add = true} : memref<66688xf32, #tpu.memory_space<vmem>>[vector<16xi32>], vector<16xf32>,
          %add3A_412 = arith.constant 18 : i32
          %add3A_413 = vector.broadcast %add3A_412 : i32 to vector<16xi32>
          %add3A_414 = arith.addi %select_n3A, %add3A_413 : vector<16xi32>
          %mul3A_415 = arith.mulf %exp3A_219, %mul3A_244 : vector<16xf32>
          tpu.vector_store_idx %arg11[%add3A_414], %mul3A_415 {add = true} : memref<66688xf32, #tpu.memory_space<vmem>>[vector<16xi32>], vector<16xf32>,
          %add3A_416 = arith.constant 19 : i32
          %add3A_417 = vector.broadcast %add3A_416 : i32 to vector<16xi32>
          %add3A_418 = arith.addi %select_n3A, %add3A_417 : vector<16xi32>
          %mul3A_419 = arith.mulf %exp3A_219, %mul3A_248 : vector<16xf32>
          tpu.vector_store_idx %arg11[%add3A_418], %mul3A_419 {add = true} : memref<66688xf32, #tpu.memory_space<vmem>>[vector<16xi32>], vector<16xf32>,
          %add3A_420 = arith.constant 20 : i32
          %add3A_421 = vector.broadcast %add3A_420 : i32 to vector<16xi32>
          %add3A_422 = arith.addi %select_n3A, %add3A_421 : vector<16xi32>
          %mul3A_423 = arith.mulf %exp3A_219, %mul3A_252 : vector<16xf32>
          tpu.vector_store_idx %arg11[%add3A_422], %mul3A_423 {add = true} : memref<66688xf32, #tpu.memory_space<vmem>>[vector<16xi32>], vector<16xf32>,
          %add3A_424 = arith.constant 21 : i32
          %add3A_425 = vector.broadcast %add3A_424 : i32 to vector<16xi32>
          %add3A_426 = arith.addi %select_n3A, %add3A_425 : vector<16xi32>
          %mul3A_427 = arith.mulf %exp3A_219, %mul3A_257 : vector<16xf32>
          tpu.vector_store_idx %arg11[%add3A_426], %mul3A_427 {add = true} : memref<66688xf32, #tpu.memory_space<vmem>>[vector<16xi32>], vector<16xf32>,
          %add3A_428 = arith.constant 22 : i32
          %add3A_429 = vector.broadcast %add3A_428 : i32 to vector<16xi32>
          %add3A_430 = arith.addi %select_n3A, %add3A_429 : vector<16xi32>
          %mul3A_431 = arith.mulf %exp3A_219, %mul3A_267 : vector<16xf32>
          tpu.vector_store_idx %arg11[%add3A_430], %mul3A_431 {add = true} : memref<66688xf32, #tpu.memory_space<vmem>>[vector<16xi32>], vector<16xf32>,
          %add3A_432 = arith.constant 23 : i32
          %add3A_433 = vector.broadcast %add3A_432 : i32 to vector<16xi32>
          %add3A_434 = arith.addi %select_n3A, %add3A_433 : vector<16xi32>
          %mul3A_435 = arith.mulf %exp3A_219, %mul3A_272 : vector<16xf32>
          tpu.vector_store_idx %arg11[%add3A_434], %mul3A_435 {add = true} : memref<66688xf32, #tpu.memory_space<vmem>>[vector<16xi32>], vector<16xf32>,
          %add3A_436 = arith.constant 24 : i32
          %add3A_437 = vector.broadcast %add3A_436 : i32 to vector<16xi32>
          %add3A_438 = arith.addi %select_n3A, %add3A_437 : vector<16xi32>
          %mul3A_439 = arith.mulf %exp3A_219, %mul3A_277 : vector<16xf32>
          tpu.vector_store_idx %arg11[%add3A_438], %mul3A_439 {add = true} : memref<66688xf32, #tpu.memory_space<vmem>>[vector<16xi32>], vector<16xf32>,
          %add3A_440 = arith.constant 25 : i32
          %add3A_441 = vector.broadcast %add3A_440 : i32 to vector<16xi32>
          %add3A_442 = arith.addi %select_n3A, %add3A_441 : vector<16xi32>
          %mul3A_443 = arith.mulf %exp3A_219, %mul3A_286 : vector<16xf32>
          tpu.vector_store_idx %arg11[%add3A_442], %mul3A_443 {add = true} : memref<66688xf32, #tpu.memory_space<vmem>>[vector<16xi32>], vector<16xf32>,
          %add3A_444 = arith.constant 26 : i32
          %add3A_445 = vector.broadcast %add3A_444 : i32 to vector<16xi32>
          %add3A_446 = arith.addi %select_n3A, %add3A_445 : vector<16xi32>
          %mul3A_447 = arith.mulf %exp3A_219, %mul3A_291 : vector<16xf32>
          tpu.vector_store_idx %arg11[%add3A_446], %mul3A_447 {add = true} : memref<66688xf32, #tpu.memory_space<vmem>>[vector<16xi32>], vector<16xf32>,
          %add3A_448 = arith.constant 27 : i32
          %add3A_449 = vector.broadcast %add3A_448 : i32 to vector<16xi32>
          %add3A_450 = arith.addi %select_n3A, %add3A_449 : vector<16xi32>
          %mul3A_451 = arith.mulf %exp3A_219, %mul3A_302 : vector<16xf32>
          tpu.vector_store_idx %arg11[%add3A_450], %mul3A_451 {add = true} : memref<66688xf32, #tpu.memory_space<vmem>>[vector<16xi32>], vector<16xf32>,
          %add3A_452 = arith.constant 28 : i32
          %add3A_453 = vector.broadcast %add3A_452 : i32 to vector<16xi32>
          %add3A_454 = arith.addi %select_n3A, %add3A_453 : vector<16xi32>
          %mul3A_455 = arith.mulf %exp3A_219, %mul3A_313 : vector<16xf32>
          tpu.vector_store_idx %arg11[%add3A_454], %mul3A_455 {add = true} : memref<66688xf32, #tpu.memory_space<vmem>>[vector<16xi32>], vector<16xf32>,
          %add3A_456 = arith.constant 29 : i32
          %add3A_457 = vector.broadcast %add3A_456 : i32 to vector<16xi32>
          %add3A_458 = arith.addi %select_n3A, %add3A_457 : vector<16xi32>
          %mul3A_459 = arith.mulf %exp3A_219, %mul3A_324 : vector<16xf32>
          tpu.vector_store_idx %arg11[%add3A_458], %mul3A_459 {add = true} : memref<66688xf32, #tpu.memory_space<vmem>>[vector<16xi32>], vector<16xf32>,
          %add3A_460 = arith.constant 30 : i32
          %add3A_461 = vector.broadcast %add3A_460 : i32 to vector<16xi32>
          %add3A_462 = arith.addi %select_n3A, %add3A_461 : vector<16xi32>
          %mul3A_463 = arith.mulf %exp3A_219, %mul3A_330 : vector<16xf32>
          tpu.vector_store_idx %arg11[%add3A_462], %mul3A_463 {add = true} : memref<66688xf32, #tpu.memory_space<vmem>>[vector<16xi32>], vector<16xf32>,
          %add3A_464 = arith.constant 31 : i32
          %add3A_465 = vector.broadcast %add3A_464 : i32 to vector<16xi32>
          %add3A_466 = arith.addi %select_n3A, %add3A_465 : vector<16xi32>
          %mul3A_467 = arith.mulf %exp3A_219, %mul3A_339 : vector<16xf32>
          tpu.vector_store_idx %arg11[%add3A_466], %mul3A_467 {add = true} : memref<66688xf32, #tpu.memory_space<vmem>>[vector<16xi32>], vector<16xf32>,
          %add3A_468 = arith.constant 32 : i32
          %add3A_469 = vector.broadcast %add3A_468 : i32 to vector<16xi32>
          %add3A_470 = arith.addi %select_n3A, %add3A_469 : vector<16xi32>
          %mul3A_471 = arith.mulf %exp3A_224, %mul3A_236 : vector<16xf32>
          tpu.vector_store_idx %arg11[%add3A_470], %mul3A_471 {add = true} : memref<66688xf32, #tpu.memory_space<vmem>>[vector<16xi32>], vector<16xf32>,
          %add3A_472 = arith.constant 33 : i32
          %add3A_473 = vector.broadcast %add3A_472 : i32 to vector<16xi32>
          %add3A_474 = arith.addi %select_n3A, %add3A_473 : vector<16xi32>
          %mul3A_475 = arith.mulf %exp3A_224, %mul3A_240 : vector<16xf32>
          tpu.vector_store_idx %arg11[%add3A_474], %mul3A_475 {add = true} : memref<66688xf32, #tpu.memory_space<vmem>>[vector<16xi32>], vector<16xf32>,
          %add3A_476 = arith.constant 34 : i32
          %add3A_477 = vector.broadcast %add3A_476 : i32 to vector<16xi32>
          %add3A_478 = arith.addi %select_n3A, %add3A_477 : vector<16xi32>
          %mul3A_479 = arith.mulf %exp3A_224, %mul3A_244 : vector<16xf32>
          tpu.vector_store_idx %arg11[%add3A_478], %mul3A_479 {add = true} : memref<66688xf32, #tpu.memory_space<vmem>>[vector<16xi32>], vector<16xf32>,
          %add3A_480 = arith.constant 35 : i32
          %add3A_481 = vector.broadcast %add3A_480 : i32 to vector<16xi32>
          %add3A_482 = arith.addi %select_n3A, %add3A_481 : vector<16xi32>
          %mul3A_483 = arith.mulf %exp3A_224, %mul3A_248 : vector<16xf32>
          tpu.vector_store_idx %arg11[%add3A_482], %mul3A_483 {add = true} : memref<66688xf32, #tpu.memory_space<vmem>>[vector<16xi32>], vector<16xf32>,
          %add3A_484 = arith.constant 36 : i32
          %add3A_485 = vector.broadcast %add3A_484 : i32 to vector<16xi32>
          %add3A_486 = arith.addi %select_n3A, %add3A_485 : vector<16xi32>
          %mul3A_487 = arith.mulf %exp3A_224, %mul3A_252 : vector<16xf32>
          tpu.vector_store_idx %arg11[%add3A_486], %mul3A_487 {add = true} : memref<66688xf32, #tpu.memory_space<vmem>>[vector<16xi32>], vector<16xf32>,
          %add3A_488 = arith.constant 37 : i32
          %add3A_489 = vector.broadcast %add3A_488 : i32 to vector<16xi32>
          %add3A_490 = arith.addi %select_n3A, %add3A_489 : vector<16xi32>
          %mul3A_491 = arith.mulf %exp3A_224, %mul3A_257 : vector<16xf32>
          tpu.vector_store_idx %arg11[%add3A_490], %mul3A_491 {add = true} : memref<66688xf32, #tpu.memory_space<vmem>>[vector<16xi32>], vector<16xf32>,
          %add3A_492 = arith.constant 38 : i32
          %add3A_493 = vector.broadcast %add3A_492 : i32 to vector<16xi32>
          %add3A_494 = arith.addi %select_n3A, %add3A_493 : vector<16xi32>
          %mul3A_495 = arith.mulf %exp3A_224, %mul3A_267 : vector<16xf32>
          tpu.vector_store_idx %arg11[%add3A_494], %mul3A_495 {add = true} : memref<66688xf32, #tpu.memory_space<vmem>>[vector<16xi32>], vector<16xf32>,
          %add3A_496 = arith.constant 39 : i32
          %add3A_497 = vector.broadcast %add3A_496 : i32 to vector<16xi32>
          %add3A_498 = arith.addi %select_n3A, %add3A_497 : vector<16xi32>
          %mul3A_499 = arith.mulf %exp3A_224, %mul3A_272 : vector<16xf32>
          tpu.vector_store_idx %arg11[%add3A_498], %mul3A_499 {add = true} : memref<66688xf32, #tpu.memory_space<vmem>>[vector<16xi32>], vector<16xf32>,
          %add3A_500 = arith.constant 40 : i32
          %add3A_501 = vector.broadcast %add3A_500 : i32 to vector<16xi32>
          %add3A_502 = arith.addi %select_n3A, %add3A_501 : vector<16xi32>
          %mul3A_503 = arith.mulf %exp3A_224, %mul3A_277 : vector<16xf32>
          tpu.vector_store_idx %arg11[%add3A_502], %mul3A_503 {add = true} : memref<66688xf32, #tpu.memory_space<vmem>>[vector<16xi32>], vector<16xf32>,
          %add3A_504 = arith.constant 41 : i32
          %add3A_505 = vector.broadcast %add3A_504 : i32 to vector<16xi32>
          %add3A_506 = arith.addi %select_n3A, %add3A_505 : vector<16xi32>
          %mul3A_507 = arith.mulf %exp3A_224, %mul3A_286 : vector<16xf32>
          tpu.vector_store_idx %arg11[%add3A_506], %mul3A_507 {add = true} : memref<66688xf32, #tpu.memory_space<vmem>>[vector<16xi32>], vector<16xf32>,
          %add3A_508 = arith.constant 42 : i32
          %add3A_509 = vector.broadcast %add3A_508 : i32 to vector<16xi32>
          %add3A_510 = arith.addi %select_n3A, %add3A_509 : vector<16xi32>
          %mul3A_511 = arith.mulf %exp3A_224, %mul3A_291 : vector<16xf32>
          tpu.vector_store_idx %arg11[%add3A_510], %mul3A_511 {add = true} : memref<66688xf32, #tpu.memory_space<vmem>>[vector<16xi32>], vector<16xf32>,
          %add3A_512 = arith.constant 43 : i32
          %add3A_513 = vector.broadcast %add3A_512 : i32 to vector<16xi32>
          %add3A_514 = arith.addi %select_n3A, %add3A_513 : vector<16xi32>
          %mul3A_515 = arith.mulf %exp3A_224, %mul3A_302 : vector<16xf32>
          tpu.vector_store_idx %arg11[%add3A_514], %mul3A_515 {add = true} : memref<66688xf32, #tpu.memory_space<vmem>>[vector<16xi32>], vector<16xf32>,
          %add3A_516 = arith.constant 44 : i32
          %add3A_517 = vector.broadcast %add3A_516 : i32 to vector<16xi32>
          %add3A_518 = arith.addi %select_n3A, %add3A_517 : vector<16xi32>
          %mul3A_519 = arith.mulf %exp3A_224, %mul3A_313 : vector<16xf32>
          tpu.vector_store_idx %arg11[%add3A_518], %mul3A_519 {add = true} : memref<66688xf32, #tpu.memory_space<vmem>>[vector<16xi32>], vector<16xf32>,
          %add3A_520 = arith.constant 45 : i32
          %add3A_521 = vector.broadcast %add3A_520 : i32 to vector<16xi32>
          %add3A_522 = arith.addi %select_n3A, %add3A_521 : vector<16xi32>
          %mul3A_523 = arith.mulf %exp3A_224, %mul3A_324 : vector<16xf32>
          tpu.vector_store_idx %arg11[%add3A_522], %mul3A_523 {add = true} : memref<66688xf32, #tpu.memory_space<vmem>>[vector<16xi32>], vector<16xf32>,
          %add3A_524 = arith.constant 46 : i32
          %add3A_525 = vector.broadcast %add3A_524 : i32 to vector<16xi32>
          %add3A_526 = arith.addi %select_n3A, %add3A_525 : vector<16xi32>
          %mul3A_527 = arith.mulf %exp3A_224, %mul3A_330 : vector<16xf32>
          tpu.vector_store_idx %arg11[%add3A_526], %mul3A_527 {add = true} : memref<66688xf32, #tpu.memory_space<vmem>>[vector<16xi32>], vector<16xf32>,
          %add3A_528 = arith.constant 47 : i32
          %add3A_529 = vector.broadcast %add3A_528 : i32 to vector<16xi32>
          %add3A_530 = arith.addi %select_n3A, %add3A_529 : vector<16xi32>
          %mul3A_531 = arith.mulf %exp3A_224, %mul3A_339 : vector<16xf32>
          tpu.vector_store_idx %arg11[%add3A_530], %mul3A_531 {add = true} : memref<66688xf32, #tpu.memory_space<vmem>>[vector<16xi32>], vector<16xf32>,
          %add3A_532 = arith.constant 48 : i32
          %add3A_533 = vector.broadcast %add3A_532 : i32 to vector<16xi32>
          %add3A_534 = arith.addi %select_n3A, %add3A_533 : vector<16xi32>
          %mul3A_535 = arith.mulf %exp3A_229, %mul3A_236 : vector<16xf32>
          tpu.vector_store_idx %arg11[%add3A_534], %mul3A_535 {add = true} : memref<66688xf32, #tpu.memory_space<vmem>>[vector<16xi32>], vector<16xf32>,
          %add3A_536 = arith.constant 49 : i32
          %add3A_537 = vector.broadcast %add3A_536 : i32 to vector<16xi32>
          %add3A_538 = arith.addi %select_n3A, %add3A_537 : vector<16xi32>
          %mul3A_539 = arith.mulf %exp3A_229, %mul3A_240 : vector<16xf32>
          tpu.vector_store_idx %arg11[%add3A_538], %mul3A_539 {add = true} : memref<66688xf32, #tpu.memory_space<vmem>>[vector<16xi32>], vector<16xf32>,
          %add3A_540 = arith.constant 50 : i32
          %add3A_541 = vector.broadcast %add3A_540 : i32 to vector<16xi32>
          %add3A_542 = arith.addi %select_n3A, %add3A_541 : vector<16xi32>
          %mul3A_543 = arith.mulf %exp3A_229, %mul3A_244 : vector<16xf32>
          tpu.vector_store_idx %arg11[%add3A_542], %mul3A_543 {add = true} : memref<66688xf32, #tpu.memory_space<vmem>>[vector<16xi32>], vector<16xf32>,
          %add3A_544 = arith.constant 51 : i32
          %add3A_545 = vector.broadcast %add3A_544 : i32 to vector<16xi32>
          %add3A_546 = arith.addi %select_n3A, %add3A_545 : vector<16xi32>
          %mul3A_547 = arith.mulf %exp3A_229, %mul3A_248 : vector<16xf32>
          tpu.vector_store_idx %arg11[%add3A_546], %mul3A_547 {add = true} : memref<66688xf32, #tpu.memory_space<vmem>>[vector<16xi32>], vector<16xf32>,
          %add3A_548 = arith.constant 52 : i32
          %add3A_549 = vector.broadcast %add3A_548 : i32 to vector<16xi32>
          %add3A_550 = arith.addi %select_n3A, %add3A_549 : vector<16xi32>
          %mul3A_551 = arith.mulf %exp3A_229, %mul3A_252 : vector<16xf32>
          tpu.vector_store_idx %arg11[%add3A_550], %mul3A_551 {add = true} : memref<66688xf32, #tpu.memory_space<vmem>>[vector<16xi32>], vector<16xf32>,
          %add3A_552 = arith.constant 53 : i32
          %add3A_553 = vector.broadcast %add3A_552 : i32 to vector<16xi32>
          %add3A_554 = arith.addi %select_n3A, %add3A_553 : vector<16xi32>
          %mul3A_555 = arith.mulf %exp3A_229, %mul3A_257 : vector<16xf32>
          tpu.vector_store_idx %arg11[%add3A_554], %mul3A_555 {add = true} : memref<66688xf32, #tpu.memory_space<vmem>>[vector<16xi32>], vector<16xf32>,
          %add3A_556 = arith.constant 54 : i32
          %add3A_557 = vector.broadcast %add3A_556 : i32 to vector<16xi32>
          %add3A_558 = arith.addi %select_n3A, %add3A_557 : vector<16xi32>
          %mul3A_559 = arith.mulf %exp3A_229, %mul3A_267 : vector<16xf32>
          tpu.vector_store_idx %arg11[%add3A_558], %mul3A_559 {add = true} : memref<66688xf32, #tpu.memory_space<vmem>>[vector<16xi32>], vector<16xf32>,
          %add3A_560 = arith.constant 55 : i32
          %add3A_561 = vector.broadcast %add3A_560 : i32 to vector<16xi32>
          %add3A_562 = arith.addi %select_n3A, %add3A_561 : vector<16xi32>
          %mul3A_563 = arith.mulf %exp3A_229, %mul3A_272 : vector<16xf32>
          tpu.vector_store_idx %arg11[%add3A_562], %mul3A_563 {add = true} : memref<66688xf32, #tpu.memory_space<vmem>>[vector<16xi32>], vector<16xf32>,
          %add3A_564 = arith.constant 56 : i32
          %add3A_565 = vector.broadcast %add3A_564 : i32 to vector<16xi32>
          %add3A_566 = arith.addi %select_n3A, %add3A_565 : vector<16xi32>
          %mul3A_567 = arith.mulf %exp3A_229, %mul3A_277 : vector<16xf32>
          tpu.vector_store_idx %arg11[%add3A_566], %mul3A_567 {add = true} : memref<66688xf32, #tpu.memory_space<vmem>>[vector<16xi32>], vector<16xf32>,
          %add3A_568 = arith.constant 57 : i32
          %add3A_569 = vector.broadcast %add3A_568 : i32 to vector<16xi32>
          %add3A_570 = arith.addi %select_n3A, %add3A_569 : vector<16xi32>
          %mul3A_571 = arith.mulf %exp3A_229, %mul3A_286 : vector<16xf32>
          tpu.vector_store_idx %arg11[%add3A_570], %mul3A_571 {add = true} : memref<66688xf32, #tpu.memory_space<vmem>>[vector<16xi32>], vector<16xf32>,
          %add3A_572 = arith.constant 58 : i32
          %add3A_573 = vector.broadcast %add3A_572 : i32 to vector<16xi32>
          %add3A_574 = arith.addi %select_n3A, %add3A_573 : vector<16xi32>
          %mul3A_575 = arith.mulf %exp3A_229, %mul3A_291 : vector<16xf32>
          tpu.vector_store_idx %arg11[%add3A_574], %mul3A_575 {add = true} : memref<66688xf32, #tpu.memory_space<vmem>>[vector<16xi32>], vector<16xf32>,
          %add3A_576 = arith.constant 59 : i32
          %add3A_577 = vector.broadcast %add3A_576 : i32 to vector<16xi32>
          %add3A_578 = arith.addi %select_n3A, %add3A_577 : vector<16xi32>
          %mul3A_579 = arith.mulf %exp3A_229, %mul3A_302 : vector<16xf32>
          tpu.vector_store_idx %arg11[%add3A_578], %mul3A_579 {add = true} : memref<66688xf32, #tpu.memory_space<vmem>>[vector<16xi32>], vector<16xf32>,
          %add3A_580 = arith.constant 60 : i32
          %add3A_581 = vector.broadcast %add3A_580 : i32 to vector<16xi32>
          %add3A_582 = arith.addi %select_n3A, %add3A_581 : vector<16xi32>
          %mul3A_583 = arith.mulf %exp3A_229, %mul3A_313 : vector<16xf32>
          tpu.vector_store_idx %arg11[%add3A_582], %mul3A_583 {add = true} : memref<66688xf32, #tpu.memory_space<vmem>>[vector<16xi32>], vector<16xf32>,
          %add3A_584 = arith.constant 61 : i32
          %add3A_585 = vector.broadcast %add3A_584 : i32 to vector<16xi32>
          %add3A_586 = arith.addi %select_n3A, %add3A_585 : vector<16xi32>
          %mul3A_587 = arith.mulf %exp3A_229, %mul3A_324 : vector<16xf32>
          tpu.vector_store_idx %arg11[%add3A_586], %mul3A_587 {add = true} : memref<66688xf32, #tpu.memory_space<vmem>>[vector<16xi32>], vector<16xf32>,
          %add3A_588 = arith.constant 62 : i32
          %add3A_589 = vector.broadcast %add3A_588 : i32 to vector<16xi32>
          %add3A_590 = arith.addi %select_n3A, %add3A_589 : vector<16xi32>
          %mul3A_591 = arith.mulf %exp3A_229, %mul3A_330 : vector<16xf32>
          tpu.vector_store_idx %arg11[%add3A_590], %mul3A_591 {add = true} : memref<66688xf32, #tpu.memory_space<vmem>>[vector<16xi32>], vector<16xf32>,
          %add3A_592 = arith.constant 63 : i32
          %add3A_593 = vector.broadcast %add3A_592 : i32 to vector<16xi32>
          %add3A_594 = arith.addi %select_n3A, %add3A_593 : vector<16xi32>
          %mul3A_595 = arith.mulf %exp3A_229, %mul3A_339 : vector<16xf32>
          tpu.vector_store_idx %arg11[%add3A_594], %mul3A_595 {add = true} : memref<66688xf32, #tpu.memory_space<vmem>>[vector<16xi32>], vector<16xf32>,
          %scan3A_596 = arith.constant 0 : i32
          scf.yield %scan3A_596 : i32
        }
        %scan3A_94 = arith.constant 61 : i32
        %while3A_95 = arith.constant 0 : i32
        scf.yield %while3A_95 : i32
      }
      %scan3A_43 = arith.constant 0 : i32
      %scan3A_44 = arith.constant 0 : i32
      %scan3A_45 = arith.constant 1024 : i32
      %scan3A_46 = arith.addi %scan3A_44, %scan3A_45 : i32
      %scan3A_47 = arith.constant 1 : i32
      %scan3A_48 = scf.for %scan3A_57 = %scan3A_44 to %scan3A_46 step %scan3A_47 iter_args(%scan3A_58 = %scan3A_43) -> (i32)  : i32 {
        %mul3A_59 = arith.constant 65 : i32
        %mul3A_60 = arith.muli %scan3A_57, %mul3A_59 : i32
        %mul3A_61 = arith.constant 64 : i32
        %mul3A_62 = arith.muli %scan3A_57, %mul3A_61 : i32
        %add3A_63 = arith.constant 0 : i32
        %add3A_64 = arith.addi %mul3A_60, %add3A_63 : i32
        %get3A_65 = arith.index_cast %add3A_64 : i32 to index
        %get3A_66 = tpu.vector_load %arg11[%get3A_65] {strides = array<i32>} : memref<66688xf32, #tpu.memory_space<vmem>>, vector<16xf32>,
        %add3A_67 = arith.constant 0 : i32
        %add3A_68 = arith.addi %mul3A_62, %add3A_67 : i32
        %swap3A = arith.index_cast %add3A_68 : i32 to index
        %swap3A_69 = tpu.vector_load %arg11[%swap3A] {strides = array<i32>} : memref<66688xf32, #tpu.memory_space<vmem>>, vector<16xf32>,
        tpu.vector_store %arg11[%swap3A], %get3A_66 {strides = array<i32>} : memref<66688xf32, #tpu.memory_space<vmem>>, vector<16xf32>,
        %add3A_70 = arith.constant 16 : i32
        %add3A_71 = arith.addi %mul3A_60, %add3A_70 : i32
        %get3A_72 = arith.index_cast %add3A_71 : i32 to index
        %get3A_73 = tpu.vector_load %arg11[%get3A_72] {strides = array<i32>} : memref<66688xf32, #tpu.memory_space<vmem>>, vector<16xf32>,
        %add3A_74 = arith.constant 16 : i32
        %add3A_75 = arith.addi %mul3A_62, %add3A_74 : i32
        %swap3A_76 = arith.index_cast %add3A_75 : i32 to index
        %swap3A_77 = tpu.vector_load %arg11[%swap3A_76] {strides = array<i32>} : memref<66688xf32, #tpu.memory_space<vmem>>, vector<16xf32>,
        tpu.vector_store %arg11[%swap3A_76], %get3A_73 {strides = array<i32>} : memref<66688xf32, #tpu.memory_space<vmem>>, vector<16xf32>,
        %add3A_78 = arith.constant 32 : i32
        %add3A_79 = arith.addi %mul3A_60, %add3A_78 : i32
        %get3A_80 = arith.index_cast %add3A_79 : i32 to index
        %get3A_81 = tpu.vector_load %arg11[%get3A_80] {strides = array<i32>} : memref<66688xf32, #tpu.memory_space<vmem>>, vector<16xf32>,
        %add3A_82 = arith.constant 32 : i32
        %add3A_83 = arith.addi %mul3A_62, %add3A_82 : i32
        %swap3A_84 = arith.index_cast %add3A_83 : i32 to index
        %swap3A_85 = tpu.vector_load %arg11[%swap3A_84] {strides = array<i32>} : memref<66688xf32, #tpu.memory_space<vmem>>, vector<16xf32>,
        tpu.vector_store %arg11[%swap3A_84], %get3A_81 {strides = array<i32>} : memref<66688xf32, #tpu.memory_space<vmem>>, vector<16xf32>,
        %add3A_86 = arith.constant 48 : i32
        %add3A_87 = arith.addi %mul3A_60, %add3A_86 : i32
        %get3A_88 = arith.index_cast %add3A_87 : i32 to index
        %get3A_89 = tpu.vector_load %arg11[%get3A_88] {strides = array<i32>} : memref<66688xf32, #tpu.memory_space<vmem>>, vector<16xf32>,
        %add3A_90 = arith.constant 48 : i32
        %add3A_91 = arith.addi %mul3A_62, %add3A_90 : i32
        %swap3A_92 = arith.index_cast %add3A_91 : i32 to index
        %swap3A_93 = tpu.vector_load %arg11[%swap3A_92] {strides = array<i32>} : memref<66688xf32, #tpu.memory_space<vmem>>, vector<16xf32>,
        tpu.vector_store %arg11[%swap3A_92], %get3A_89 {strides = array<i32>} : memref<66688xf32, #tpu.memory_space<vmem>>, vector<16xf32>,
        %scan3A_94 = arith.constant 0 : i32
        scf.yield %scan3A_94 : i32
      }
      %scan3A_49 = arith.constant 1024 : i32
      %lt3A = arith.constant 195 : i32
      %lt3A_50 = arith.cmpi slt, %add3A_15, %lt3A : i32
      %convert_element_type3A = arith.extui %lt3A_50 : i1 to i32
      %cond3A = arith.constant 0 : i32
      %cond3A_51 = arith.cmpi ne, %convert_element_type3A, %cond3A : i32
      scf.if %cond3A_51 {
        %mul3A_57 = arith.constant 65536 : i32
        %mul3A_58 = arith.muli %add3A_15, %mul3A_57 : i32
        "tpu.region"() ({
          %run_scoped3A = tpu.sem_alloc : memref<!tpu.dma_semaphore, #tpu.memory_space<semaphore_mem>>
          %dma_start3A = arith.constant 0 : i32
          %dma_start3A_59 = tpu.memref_slice %arg11[%dma_start3A] : memref<66688xf32, #tpu.memory_space<vmem>> -> memref<65536xf32, #tpu.memory_space<vmem>>
          %dma_start3A_60 = tpu.memref_slice %arg10[%mul3A_58] : memref<12800000xf32, #tpu.memory_space<hbm>> -> memref<65536xf32, #tpu.memory_space<hbm>>
          %dma_start3A_61 = tpu.memref_slice %arg10[%mul3A_58] : memref<12800000xf32, #tpu.memory_space<hbm>> -> memref<65536xf32, #tpu.memory_space<hbm>>
          %dma_start3A_62 = arith.constant 0 : i32
          %dma_start3A_63 = tpu.memref_slice %arg11[%dma_start3A_62] : memref<66688xf32, #tpu.memory_space<vmem>> -> memref<65536xf32, #tpu.memory_space<vmem>>
          tpu.enqueue_dma source(%dma_start3A_63 : memref<65536xf32, #tpu.memory_space<vmem>>) target(%dma_start3A_61 : memref<65536xf32, #tpu.memory_space<hbm>>) target_semaphore(%run_scoped3A : memref<!tpu.dma_semaphore, #tpu.memory_space<semaphore_mem>>)
          %dma_wait3A = arith.constant 0 : i32
          %dma_wait3A_64 = tpu.memref_slice %arg11[%dma_wait3A] : memref<66688xf32, #tpu.memory_space<vmem>> -> memref<65536xf32, #tpu.memory_space<vmem>>
          %dma_wait3A_65 = tpu.memref_slice %arg10[%mul3A_58] : memref<12800000xf32, #tpu.memory_space<hbm>> -> memref<65536xf32, #tpu.memory_space<hbm>>
          %dma_wait3A_66 = tpu.memref_slice %arg10[%mul3A_58] : memref<12800000xf32, #tpu.memory_space<hbm>> -> memref<65536xf32, #tpu.memory_space<hbm>>
          %dma_wait3A_67 = arith.constant 0 : i32
          %dma_wait3A_68 = tpu.memref_slice %arg11[%dma_wait3A_67] : memref<66688xf32, #tpu.memory_space<vmem>> -> memref<65536xf32, #tpu.memory_space<vmem>>
          tpu.wait_dma2 semaphore(%run_scoped3A : memref<!tpu.dma_semaphore, #tpu.memory_space<semaphore_mem>>) src(%dma_wait3A_68 : memref<65536xf32, #tpu.memory_space<vmem>>) dst(%dma_wait3A_66 : memref<65536xf32, #tpu.memory_space<hbm>>)
          tpu.yield
        }) : () -> ()
      } else {
      }
      %eq3A = arith.constant 195 : i32
      %eq3A_52 = arith.cmpi eq, %add3A_15, %eq3A : i32
      %convert_element_type3A_53 = arith.extui %eq3A_52 : i1 to i32
      %cond3A_54 = arith.constant 0 : i32
      %cond3A_55 = arith.cmpi ne, %convert_element_type3A_53, %cond3A_54 : i32
      scf.if %cond3A_55 {
        "tpu.region"() ({
          %run_scoped3A = tpu.sem_alloc : memref<!tpu.dma_semaphore, #tpu.memory_space<semaphore_mem>>
          %dma_start3A = arith.constant 0 : i32
          %dma_start3A_57 = tpu.memref_slice %arg11[%dma_start3A] : memref<66688xf32, #tpu.memory_space<vmem>> -> memref<20480xf32, #tpu.memory_space<vmem>>
          %dma_start3A_58 = arith.constant 12779520 : i32
          %dma_start3A_59 = tpu.memref_slice %arg10[%dma_start3A_58] : memref<12800000xf32, #tpu.memory_space<hbm>> -> memref<20480xf32, #tpu.memory_space<hbm>>
          %dma_start3A_60 = arith.constant 12779520 : i32
          %dma_start3A_61 = tpu.memref_slice %arg10[%dma_start3A_60] : memref<12800000xf32, #tpu.memory_space<hbm>> -> memref<20480xf32, #tpu.memory_space<hbm>>
          %dma_start3A_62 = arith.constant 0 : i32
          %dma_start3A_63 = tpu.memref_slice %arg11[%dma_start3A_62] : memref<66688xf32, #tpu.memory_space<vmem>> -> memref<20480xf32, #tpu.memory_space<vmem>>
          tpu.enqueue_dma source(%dma_start3A_63 : memref<20480xf32, #tpu.memory_space<vmem>>) target(%dma_start3A_61 : memref<20480xf32, #tpu.memory_space<hbm>>) target_semaphore(%run_scoped3A : memref<!tpu.dma_semaphore, #tpu.memory_space<semaphore_mem>>)
          %dma_wait3A = arith.constant 0 : i32
          %dma_wait3A_64 = tpu.memref_slice %arg11[%dma_wait3A] : memref<66688xf32, #tpu.memory_space<vmem>> -> memref<20480xf32, #tpu.memory_space<vmem>>
          %dma_wait3A_65 = arith.constant 12779520 : i32
          %dma_wait3A_66 = tpu.memref_slice %arg10[%dma_wait3A_65] : memref<12800000xf32, #tpu.memory_space<hbm>> -> memref<20480xf32, #tpu.memory_space<hbm>>
          %dma_wait3A_67 = arith.constant 12779520 : i32
          %dma_wait3A_68 = tpu.memref_slice %arg10[%dma_wait3A_67] : memref<12800000xf32, #tpu.memory_space<hbm>> -> memref<20480xf32, #tpu.memory_space<hbm>>
          %dma_wait3A_69 = arith.constant 0 : i32
          %dma_wait3A_70 = tpu.memref_slice %arg11[%dma_wait3A_69] : memref<66688xf32, #tpu.memory_space<vmem>> -> memref<20480xf32, #tpu.memory_space<vmem>>
          tpu.wait_dma2 semaphore(%run_scoped3A : memref<!tpu.dma_semaphore, #tpu.memory_space<semaphore_mem>>) src(%dma_wait3A_70 : memref<20480xf32, #tpu.memory_space<vmem>>) dst(%dma_wait3A_68 : memref<20480xf32, #tpu.memory_space<hbm>>)
          tpu.yield
        }) : () -> ()
      } else {
      }
      %scan3A_56 = arith.constant 0 : i32
      scf.yield %scan3A_56 : i32
    }
    %scan3A_10 = arith.constant 7 : i32
    return
  }
}

</mosaic_0001>

<sc_bundles>
// kernel: _run.3.cloned.1.call-start
scs
__scs_entry_jumppad:
0x0: {  	(pc) =	sbr.rel $0x88, $3  }
0x1: {  	(tag) =	ssettag $0x0;
	lr =	simm.s32 $0x1  }
0x2: {  	[smem:$0x3F99] =	sst lr;
	_ =	strace $0xD0000000  }
0x3: {  	_ = 	snop  }
0x4: {  	_ = 	snop  }
0x5: {  	_ = 	snop  }
0x6: {  	_ = 	snop  }
0x7: {  	_ = 	snop  }
__scs_overlays_trampoline_lowered:
0x8: {  	[smem:$0x3FA8] =	sst s0  }
0x9: {  	[smem:$0x3FA9] =	sst s1  }
0xa: {  	[smem:$0x3FAA] =	sst s2  }
0xb: {  	[smem:$0x3FAB] =	sst s3  }
0xc: {  	[smem:$0x3FAC] =	sst s4  }
0xd: {  	[smem:$0x3FAD] =	sst s5  }
0xe: {  	[smem:$0x3FAE] =	sst s6  }
0xf: {  	[smem:$0x3FAF] =	sst s7  }
0x10: {  	[smem:$0x3FB0] =	sst s8  }
0x11: {  	[smem:$0x3FB1] =	sst s9;
	s0 =	simm.s32 @!p0 $0x0  }
0x12: {  	s1 =	sld [smem:$0x3F97];
	s0 =	simm.s32 @p0 $0x1  }
0x13: {  	[smem:$0x3FB2] =	sst s0;
	s0 =	simm.s32 @!p1 $0x0  }
0x14: {  	s2 =	sld [smem:$0x3F96];
	s0 =	simm.s32 @p1 $0x1  }
0x15: {  	[smem:$0x3FB3] =	sst s0;
	s0 =	simm.s32 @!p2 $0x0  }
0x16: {  	s3 =	sld [smem:$0x3FDB];
	s0 =	simm.s32 @p2 $0x1  }
0x17: {  	s4 =	simm.s32 $0x1BF5;
	[smem:$0x3FB5] =	sst s0  }
0x18: {  	s0 =	sld [smem:$0x3F98];
	_ =	swait.ge [sflag:s4], $0x0  }
0x19: {  	s7 =	sld [smem:$0x3F99]  }
0x1a: {  	s8 =	sadd.s32 $0xFFFFE003, lr  }
0x1b: {  	s9 =	sadd.s32 $0xFFFFFEF7, lr;
	s5 =	simm.s32 $0xFFFFFFFF;
	p2 =	slt.u32 s8, $0xFFFFF086  }
0x1c: {  	p1 =	slt.u32 s9, $0xF7A;
	s5 =	simm.s32 @!p2 $0x0  }
0x1d: {  	s5 =	simm.s32 @p1 $0x1;
	p0 =	seq.s32 s7, s2  }
0x1e: {  	s7 =	smul.u32 @!p0 $0xF7A, s2;
	p2 =	seq.s32 @!p0 s5, $0x0  }
0x1f: {  	s9 =	smul.u32 $0xF7A, s1;
	s8 =	simm.s32 @!p0 $0x1BF5;
	p2 =	por !p2, p0  }
0x20: {  	[sflag:s8] =	ssyncset.s32 @!p0 $0xFFFFF086;
	s6 =	sadd.s32 @!p0 s3, s7;
	s7 =	simm.s32 @!p0 $0x108  }
0x21: {  	s3 =	sadd.s32 s3, s9;
	s6 =	sadd.s32 @!p0 $0x88, s6;
	s7 =	simm.s32 @p2 $0x1082  }
0x22: {  	[simem:s7], [sflag:s8] =	dma.local @!p0 [hbm:s6], $0xF7A  }
0x23: {  	s9 =	sor.u32 $0xD0000000, s2;
	s6 =	simm.s32 $0x108;
	_ =	swait.ge @!p0 [sflag:s8], $0x0  }
0x24: {  	s3 =	sadd.s32 $0x88, s3;
	s6 =	simm.s32 @!p1 $0x1082;
	[sflag:s4] =	ssyncset.s32 $0xFFFFF086  }
0x25: {  	[simem:s6], [sflag:s4] =	dma.local [hbm:s3], $0xF7A  }
0x26: {  	[smem:$0x3F99] =	sst s1;
	(tag) =	ssettag s2;
	_ =	strace s9  }
0x27: {  	s1 =	sld [smem:$0x3FA9]  }
0x28: {  	s2 =	sld [smem:$0x3FAA]  }
0x29: {  	s4 =	sld [smem:$0x3FAC]  }
0x2a: {  	p0 =	seq.s32 s5, $0x0;
	s5 =	sld [smem:$0x3FAD]  }
0x2b: {  	s6 =	sld [smem:$0x3FAE]  }
0x2c: {  	s7 =	sld [smem:$0x3FAF]  }
0x2d: {  	s3 =	simm.s32 $0x108;
	s8 =	sld [smem:$0x3FB0]  }
0x2e: {  	s3 =	simm.s32 @!p0 $0x1082;
	s9 =	sld [smem:$0x3FB1]  }
0x2f: {  	lr =	sadd.s32 s0, s3;
	s0 =	sld [smem:$0x3FA8]  }
0x30: {  	s3 =	sld [smem:$0x3FAB]  }
0x31: {  	[smem:$0x3FB4] =	sst s10  }
0x32: {  	s10 =	sld [smem:$0x3FB2];
	_ =	sdelay $0x3  }
0x33: {  	p0 =	seq.s32 s10, $0x1;
	s10 =	sld [smem:$0x3FB4];
	_ =	sdelay $0x3  }
0x34: {  	[smem:$0x3FB4] =	sst s10  }
0x35: {  	s10 =	sld [smem:$0x3FB3];
	_ =	sdelay $0x3  }
0x36: {  	p1 =	seq.s32 s10, $0x1;
	s10 =	sld [smem:$0x3FB4];
	_ =	sdelay $0x3  }
0x37: {  	[smem:$0x3FB4] =	sst s10  }
0x38: {  	s10 =	sld [smem:$0x3FB5]  }
0x39: {  	_ = 	snop;
	(pc) =	sbr.ind lr, $3  }
0x3a: {  	_ = 	snop  }
0x3b: {  	_ = 	snop  }
0x3c: {  	p2 =	seq.s32 s10, $0x1;
	s10 =	sld [smem:$0x3FB4]  }
0x3d: {  	_ =	shalt  }
0x3e: {  	_ =	shalt  }
0x3f: {  	_ =	shalt  }
0x40: {  	_ =	shalt  }
0x41: {  	_ =	shalt  }
0x42: {  	_ =	shalt  }
0x43: {  	_ =	shalt  }
0x44: {  	_ =	shalt  }
0x45: {  	_ =	shalt  }
0x46: {  	_ =	shalt  }
0x47: {  	_ =	shalt  }
0x48: {  	_ =	shalt  }
0x49: {  	_ =	shalt  }
0x4a: {  	_ =	shalt  }
0x4b: {  	_ =	shalt  }
0x4c: {  	_ =	shalt  }
0x4d: {  	_ =	shalt  }
0x4e: {  	_ =	shalt  }
0x4f: {  	_ =	shalt  }
0x50: {  	_ =	shalt  }
0x51: {  	_ =	shalt  }
0x52: {  	_ =	shalt  }
0x53: {  	_ =	shalt  }
0x54: {  	_ =	shalt  }
0x55: {  	_ =	shalt  }
0x56: {  	_ =	shalt  }
0x57: {  	_ =	shalt  }
0x58: {  	_ =	shalt  }
0x59: {  	_ =	shalt  }
0x5a: {  	_ =	shalt  }
0x5b: {  	_ =	shalt  }
0x5c: {  	_ =	shalt  }
0x5d: {  	_ =	shalt  }
0x5e: {  	_ =	shalt  }
0x5f: {  	_ =	shalt  }
0x60: {  	_ =	shalt  }
0x61: {  	_ =	shalt  }
0x62: {  	_ =	shalt  }
0x63: {  	_ =	shalt  }
0x64: {  	_ =	shalt  }
0x65: {  	_ =	shalt  }
0x66: {  	_ =	shalt  }
0x67: {  	_ =	shalt  }
0x68: {  	_ =	shalt  }
0x69: {  	_ =	shalt  }
0x6a: {  	_ =	shalt  }
0x6b: {  	_ =	shalt  }
0x6c: {  	_ =	shalt  }
0x6d: {  	_ =	shalt  }
0x6e: {  	_ =	shalt  }
0x6f: {  	_ =	shalt  }
0x70: {  	_ =	shalt  }
0x71: {  	_ =	shalt  }
0x72: {  	_ =	shalt  }
0x73: {  	_ =	shalt  }
0x74: {  	_ =	shalt  }
0x75: {  	_ =	shalt  }
0x76: {  	_ =	shalt  }
0x77: {  	_ =	shalt  }
0x78: {  	_ =	shalt  }
0x79: {  	_ =	shalt  }
0x7a: {  	_ =	shalt  }
0x7b: {  	_ =	shalt  }
0x7c: {  	_ =	shalt  }
0x7d: {  	_ =	shalt  }
0x7e: {  	_ =	shalt  }
0x7f: {  	_ =	shalt  }
0x80: {  	_ =	shalt  }
0x81: {  	_ =	shalt  }
0x82: {  	_ =	shalt  }
0x83: {  	_ =	shalt  }
0x84: {  	_ =	shalt  }
0x85: {  	_ =	shalt  }
0x86: {  	_ =	shalt  }
0x87: {  	_ =	shalt  }
.Lfunc_end0:
.L_simem_size_0:
called_computation_lowered:
.L_overlay_start_0:
0x88: {  	s2 =	sld [smem:$0x3FD9]  }
0x89: {  	s3 =	sld [smem:$0x3FFE];
	_ =	sdelay $0x1  }
0x8a: {  	s1 =	srdreg.scid  }
0x8b: {  	s0 =	sand.u32 $0x1, s1  }
0x8c: {  	s18 =	sshll.u32 s0, $0xA;
	s2 =	sadd.s32 s3, s2  }
0x8d: {  	s2 =	sadd.s32 s2, s18  }
0x8e: {  	[smem:$0x3FC0] =	sst s2  }
0x8f: {  	_ = 	snop  }
0x90: {  	s2 =	sld [smem:$0x3FC9]  }
0x91: {  	s19 =	sld [smem:$0x3FC8]  }
0x92: {  	s4 =	sld [smem:$0x3FC7]  }
0x93: {  	s5 =	sld [smem:$0x3FC6]  }
0x94: {  	s6 =	sld [smem:$0x3FC5]  }
0x95: {  	s7 =	sld [smem:$0x3FC4]  }
0x96: {  	s8 =	sld [smem:$0x3FC3]  }
0x97: {  	s9 =	sld [smem:$0x3FC2]  }
0x98: {  	s10 =	sld [smem:$0x3FD0];
	(tm) =	ssettm $0x1  }
0x99: {  	s11 =	sld [smem:$0x3FFB];
	_ =	sdelay $0x3  }
0x9a: {  	_ =	strace s11  }
0x9b: {  	s11 =	sld [smem:$0x3FFC];
	_ =	sdelay $0x3  }
0x9c: {  	_ =	strace s11  }
0x9d: {  	s11 =	sld [smem:$0x3FFD];
	_ =	sdelay $0x3  }
0x9e: {  	_ =	strace s11  }
0x9f: {  	_ =	strace $0x8FFFFFFF  }
0xa0: {  	s20 =	sld [smem:$0x3FDB];
	_ =	sdelay $0x1  }
0xa1: {  	s12 =	simm.s32 $_scs_section_size  }
0xa2: {  	s13 =	simm.s32 $_size__tile_overlayer_lowered;
	s14 =	simm.s32 $_tile_overlayer_lowered  }
0xa3: {  	s23 =	simm.s32 $0x1BFF;
	s22 =	sshll.u32 s14, $0x1;
	s11 =	sadd.s32 s12, s20  }
0xa4: {  	s15 =	simm.s32 $0x0;
	s21 =	sshll.u32 s13, $0x1;
	s13 =	sadd.s32 s22, s11  }
0xa5: {  	[timem:s15], [sflag:s23] =	dma.local [hbm:s13], s21  }
0xa6: {  	_ =	swait.ge [sflag:s23], s21  }
0xa7: {  	s12 =	ssub.s32 $0x0, s21;
	[sflag:s23] =	ssyncset.done $0x0  }
0xa8: {  	[sflag:s23] =	ssyncadd.s32 s12;
	_ =	sdelay $0x1  }
0xa9: {  	s24 =	simm.s32 $0x1B8B  }
0xaa: {  	_ =	swait.ge [sflag:s24], $0x1  }
0xab: {  	[sflag:s24] =	ssyncset.done $0x0  }
0xac: {  	s25 =	simm.s32 $0x1B8E;
	[sflag:s24] =	ssyncadd.s32 $0xFFFFFFFF  }
0xad: {  	s26 =	simm.s32 $execute0_lowered;
	[smem:$0x3FD2] =	sst s25  }
0xae: {  	s12 =	sshll.u32 s26, $0x1;
	_ =	strace $0x80000046;
	[dreg:$0x1] =	wrdreg $0xFFFFFFFF  }
0xaf: {  	s28 =	simm.s32 $_size_execute0_lowered;
	s11 =	sadd.s32 s11, s12;
	[dreg:$0x0] =	wrdreg $0x0  }
0xb0: {  	s12 =	sshll.u32 s28, $0x1;
	[dreg:$0x2] =	wrdreg s11  }
0xb1: {  	[dreg:$0x3] =	wrdreg s12  }
0xb2: {  	[dreg:$0x4] =	wrdreg $0xC0  }
0xb3: {  	_ =	task [dreg:s15], $0x5FFFF  }
0xb4: {  	[dreg:$0x1] =	wrdreg $0xFFFFFFFF  }
0xb5: {  	[dreg:$0x0] =	wrdreg $0x60  }
0xb6: {  	[dreg:$0x2] =	wrdreg s2  }
0xb7: {  	[dreg:$0x3] =	wrdreg s19  }
0xb8: {  	[dreg:$0x4] =	wrdreg s4  }
0xb9: {  	[dreg:$0x5] =	wrdreg s5  }
0xba: {  	[dreg:$0x6] =	wrdreg s6  }
0xbb: {  	[dreg:$0x7] =	wrdreg s7  }
0xbc: {  	[dreg:$0x8] =	wrdreg s8  }
0xbd: {  	[dreg:$0x9] =	wrdreg s9  }
0xbe: {  	[dreg:$0xa] =	wrdreg s10  }
0xbf: {  	[dreg:$0xb] =	wrdreg $0x9  }
0xc0: {  	_ =	task.clear_ibuf [dreg:s15], $0xCFFFF;
	_ =	strace $0x90000046  }
0xc1: {  	s29 =	simm.s32 $0x9;
	_ =	strace $0x80000048  }
0xc2: {  	_ =	swait.ge [sflag:s29], $0x1  }
0xc3: {  	[sflag:s29] =	ssyncadd.s32 $0xFFFFFFFF  }
0xc4: {  	_ =	strace $0x90000048  }
0xc5: {  	_ =	sfence  }
0xc6: {  	s30 =	sld [smem:$0x0];
	_ =	sdelay $0x2  }
0xc7: {  	s31 =	sshll.u32 s1, $0xD;
	s1 =	sshrl.u32 s1, $0x2  }
0xc8: {  	s3 =	sand.u32 $0x4000, s31;
	s1 =	sadd.s32 s1, s30  }
0xc9: {  	s0 =	sor.u32 s3, s0;
	s1 =	sshll.u32 s1, $0x11  }
0xca: {  	s0 =	sor.u32 s1, s0  }
0xcb: {  	s0 =	sadd.s32 $0x8F2B, s0  }
0xcc: {  	[sflag:s0] =	ssyncadd.remote.s32 $0x1  }
0xcd: {  	_ =	sfence.sel $0xFFFF  }
0xce: {  	[dreg:$0x0] =	wrdreg $0xFFFFFFFF;
	(pc) =	sbr.abs _section_cstart, $3  }
0xcf: {  	[dreg:$0x1] =	wrdreg $0xFFFFFFFF  }
0xd0: {  	_ =	task.clear_ibuf [dreg:s15], $0x2FFFF;
	_ =	strace $0x9FFFFFFF  }
0xd1: {  	(tm) =	ssettm $0x7FFFFFFF  }
tec
execute0_lowered:
.L_overlay_start_1:
0x0: {  	(tag) =	ssettag $0x1  }
0x1: {  	s0 =	rddreg [dreg:$0x0]  }
0x2: {  	s1 =	rddreg [dreg:$0x1]  }
0x3: {  	s2 =	rddreg [dreg:$0x2]  }
0x4: {  	s3 =	rddreg [dreg:$0x3]  }
0x5: {  	s5 =	rddreg [dreg:$0x4]  }
0x6: {  	s6 =	rddreg [dreg:$0x5]  }
0x7: {  	s9 =	rddreg [dreg:$0x8];
	s4 =	srdreg.scid  }
0x8: {  	s10 =	simm.s32 $0x0;
	s8 =	stileid.u32;
	s16 =	simm.s32 $0x11C80  }
0x9: {  	s19 =	simm.s32 $0x10480;
	s20 =	simm.s32 $0x10880;
	s12 =	sand.u32 $0x1, s4  }
0xa: {  	s21 =	simm.s32 $0x10C80;
	s22 =	simm.s32 $0x11080;
	s4 =	ssub.s32 $0x2, s12  }
0xb: {  	s23 =	simm.s32 $0x11480;
	s24 =	simm.s32 $0x11880;
	s7 =	sshrl.u32 s4, $0x1  }
0xc: {  	s25 =	simm.s32 $0x1;
	[smem:$0x7FF] =	sst s10;
	s4 =	ssub.s32 s4, s7  }
0xd: {  	v1 =	vlaneseq.u32;
	s13 =	sshll.u32 s8, $0x1;
	s14 =	sadd.s32 $0x186000, s9;
	s4 =	smax.u32 s4, $0x1  }
0xe: {  	v0 =	vimm.f32 $0.0e+00;
	v1 =	vmul.u32 $0x3D, v1;
	_ =	strace $0x80000047;
	s7 =	simm.s32 $0x0;
	[dreg:$0xa] =	wrdreg s4  }
.LBB2_1:
0xf: {  	[dreg:$0xb] =	wrdreg s7  }
0x10: {  	s4 =	rddreg [dreg:$0x6];
	s30 =	simm.s32 $0x2  }
0x11: {  	[tilespmem:s16], [sflag:$0x2] =	stream.linear.gather [hbm4b:s4+s10], $0xC80, $0x38;
	[tilespmem:$0x12A00] =	vst v63  }
0x12: {  	_ =	swait.ge [sflag:s30], $0xC80  }
0x13: {  	[sflag:s30] =	ssyncset.done $0x0  }
0x14: {  	[sflag:s30] =	ssyncadd.s32 $0xFFFFF380  }
0x15: {  	s8 =	simm.s32 $0x12900;
	s31 =	rddreg [dreg:$0x7]  }
0x16: {  	[tilespmem:s8], [sflag:$0x2] =	stream.linear.gather [hbm4b:s31+s10], $0x100, $0x38;
	[tilespmem:$0x12A00] =	vst v63  }
0x17: {  	_ =	swait.ge [sflag:s30], $0x100  }
0x18: {  	[sflag:s30] =	ssyncset.done $0x0  }
0x19: {  	s28 =	simm.s32 $0x0;
	[sflag:s30] =	ssyncadd.s32 $0xFFFFFF00  }
.LBB2_2:
0x1a: {  	s4 =	sshll.u32 s28, $0x5  }
0x1b: {  	s4 =	sor.u32 s4, s13  }
0x1c: {  	s29 =	sor.u32 s12, s4  }
0x1d: {  	s7 =	simm.s32 $0x0;
	s4 =	simm.s32 $0x200;
	v2 =	vld [tilespmem:s29+$0x12900]  }
.LBB2_3:
0x1e: {  	p0 =	sne.s32 s4, $0x41000;
	[tilespmem:s7+$0x70] =	vst v0  }
0x1f: {  	[tilespmem:s7+$0x0] =	vst v0  }
0x20: {  	[tilespmem:s7+$0x10] =	vst v0  }
.Ltmp0:
0x21: {  	[tilespmem:s7+$0x20] =	vst v0;
	(pc) =	sbr.rel @p0 .LBB2_3-.Ltmp0, $4  }
0x22: {  	[tilespmem:s7+$0x30] =	vst v0  }
0x23: {  	[tilespmem:s7+$0x40] =	vst v0  }
0x24: {  	[tilespmem:s7+$0x50] =	vst v0  }
0x25: {  	[tilespmem:s7+$0x60] =	vst v0;
	s7 =	sshra.s32 s4, $0x2;
	s4 =	sadd.s32 $0x200, s4  }
0x26: {  	(v2sf) =	vpush v2, $0x0  }
0x27: {  	(v2sf) =	vpush v2, $0x1;
	_ =	sdelay $0xd  }
0x28: {  	s30 =	spop (v2sf)  }
0x29: {  	s31 =	spop (v2sf);
	s4 =	sand.u32 $0xFFFFFFF8, s30  }
0x2a: {  	[tilespmem:s7+$0x70] =	vst v0;
	s8 =	ssub.s32 s31, s4  }
0x2b: {  	[tilespmem:s7+$0x0] =	vst v0;
	s8 =	sadd.s32 $0x3CF, s8  }
0x2c: {  	[tilespmem:s7+$0x10] =	vst v0;
	p0 =	slt.s32 s8, $0x3D0  }
.Ltmp1:
0x2d: {  	[tilespmem:s7+$0x20] =	vst v0;
	(pc) =	sbr.rel @p0 .LBB2_9-.Ltmp1, $4  }
0x2e: {  	[tilespmem:s7+$0x30] =	vst v0  }
0x2f: {  	[tilespmem:s7+$0x40] =	vst v0  }
0x30: {  	[tilespmem:s7+$0x50] =	vst v0  }
0x31: {  	[tilespmem:s7+$0x60] =	vst v0  }
0x32: {  	s7 =	smulhi.u32 $0x4325C53F, s8;
	s26 =	sshra.s32 s8, $0x1F  }
0x33: {  	s8 =	smul.u32 $0x4325C53F, s26;
	_ =	sdelay $0x1  }
0x34: {  	s7 =	sadd.s32 s8, s7  }
0x35: {  	s18 =	sshll.u32 s29, $0x8;
	s8 =	sshrl.u32 s7, $0x1F;
	s7 =	sshra.s32 s7, $0x8  }
0x36: {  	v2 =	vmov s18;
	s11 =	sadd.s32 s8, s7;
	s7 =	simm.s32 $0x0;
	s8 =	simm.s32 $0x0  }
.LBB2_6:
0x37: {  	s18 =	smul.u32 $0x3D0, s8;
	_ =	sdelay $0x1  }
0x38: {  	s18 =	sadd.s32 s4, s18  }
0x39: {  	p0 =	slt.s32 s18, $0xC3130;
	s15 =	smov.u32 s18  }
0x3a: {  	s15 =	simm.s32 @!p0 $0xC3130  }
0x3b: {  	s17 =	sshrl.u32 s15, $0x3  }
0x3c: {  	s26 =	sadd.s32 s0, s17  }
0x3d: {  	[tilespmem:s19], [sflag:$0x1] =	stream.linear.gather [hbm4b:s26+s7], $0x3D0, $0x38;
	[tilespmem:$0x12A00] =	vst v63  }
0x3e: {  	s26 =	sadd.s32 s1, s17  }
0x3f: {  	[tilespmem:s20], [sflag:$0x1] =	stream.linear.gather [hbm4b:s26+s7], $0x3D0, $0x38;
	[tilespmem:$0x12A00] =	vst v63  }
0x40: {  	s26 =	sadd.s32 s2, s17  }
0x41: {  	[tilespmem:s21], [sflag:$0x1] =	stream.linear.gather [hbm4b:s26+s7], $0x3D0, $0x38;
	[tilespmem:$0x12A00] =	vst v63  }
0x42: {  	s26 =	sadd.s32 s3, s17  }
0x43: {  	[tilespmem:s22], [sflag:$0x1] =	stream.linear.gather [hbm4b:s26+s7], $0x3D0, $0x38;
	[tilespmem:$0x12A00] =	vst v63  }
0x44: {  	s26 =	sadd.s32 s5, s17  }
0x45: {  	[tilespmem:s23], [sflag:$0x1] =	stream.linear.gather [hbm4b:s26+s7], $0x3D0, $0x38;
	[tilespmem:$0x12A00] =	vst v63  }
0x46: {  	s17 =	sadd.s32 s6, s17  }
0x47: {  	[tilespmem:s24], [sflag:$0x1] =	stream.linear.gather [hbm4b:s17+s7], $0x3D0, $0x38;
	[tilespmem:$0x12A00] =	vst v63  }
0x48: {  	_ =	swait.ge [sflag:s25], $0x3D0  }
0x49: {  	[sflag:s25] =	ssyncset.done $0x0  }
0x4a: {  	[sflag:s25] =	ssyncadd.s32 $0xFFFFFC30  }
0x4b: {  	_ =	swait.ge [sflag:s25], $0x3D0  }
0x4c: {  	[sflag:s25] =	ssyncset.done $0x0  }
0x4d: {  	[sflag:s25] =	ssyncadd.s32 $0xFFFFFC30  }
0x4e: {  	_ =	swait.ge [sflag:s25], $0x3D0  }
0x4f: {  	[sflag:s25] =	ssyncset.done $0x0  }
0x50: {  	[sflag:s25] =	ssyncadd.s32 $0xFFFFFC30  }
0x51: {  	_ =	swait.ge [sflag:s25], $0x3D0  }
0x52: {  	[sflag:s25] =	ssyncset.done $0x0  }
0x53: {  	[sflag:s25] =	ssyncadd.s32 $0xFFFFFC30  }
0x54: {  	_ =	swait.ge [sflag:s25], $0x3D0  }
0x55: {  	v6 =	vadd.s32 s7, v1;
	[sflag:s25] =	ssyncset.done $0x0  }
0x56: {  	[sflag:s25] =	ssyncadd.s32 $0xFFFFFC30  }
0x57: {  	_ =	swait.ge [sflag:s25], $0x3D0  }
0x58: {  	[sflag:s25] =	ssyncset.done $0x0  }
0x59: {  	[sflag:s25] =	ssyncadd.s32 $0xFFFFFC30  }
0x5a: {  	v23 =	vld.idx.msk [tilespmem:v6+s19+$0x0], $0xffff;
	_ =	sdelay $0x4  }
0x5b: {  	v3 =	vadd.f32 $-4.500000000e+00, v23;
	_ =	sdelay $0x1  }
0x5c: {  	v3 =	vadd.f32 v3, v3;
	_ =	sdelay $0x1  }
0x5d: {  	v3 =	vmax.f32 v3, $0.0e+00  }
0x5e: {  	v3 =	vmin.f32 v3, $1.000000000e+00  }
0x5f: {  	v3 =	vadd.f32 $-5.000000000e-01, v3;
	_ =	sdelay $0x1  }
0x60: {  	v3 =	vmul.f32 $3.141592740e+00, v3;
	_ =	sdelay $0x1  }
0x61: {  	v4 =	vmul.f32 v3, v3;
	_ =	sdelay $0x1  }
0x62: {  	v5 =	vmul.f32 $-2.505210790e-08, v4;
	_ =	sdelay $0x1  }
0x63: {  	v5 =	vadd.f32 $2.755731880e-06, v5;
	_ =	sdelay $0x1  }
0x64: {  	v5 =	vmul.f32 v5, v4  }
0x65: {  	v7 =	vld.idx.msk [tilespmem:v6+s24+$0x0], $0xffff  }
0x66: {  	v5 =	vadd.f32 $-1.984127010e-04, v5;
	_ =	sdelay $0x1  }
0x67: {  	v5 =	vmul.f32 v5, v4;
	_ =	sdelay $0x1  }
0x68: {  	v8 =	vshrl.u32 v7, $0x4;
	v5 =	vadd.f32 $8.333333770e-03, v5;
	_ =	sdelay $0x1  }
0x69: {  	v5 =	vmul.f32 v5, v4  }
0x6a: {  	v13 =	vld.idx.msk [tilespmem:v6+s22+$0x0], $0xffff  }
0x6b: {  	v15 =	vld.idx.msk [tilespmem:v6+s20+$0x0], $0xffff;
	v5 =	vadd.f32 $-1.666666720e-01, v5  }
0x6c: {  	v8 =	vld.idx.msk [tilespmem:v8+s16+$0x0], $0xffff  }
0x6d: {  	v16 =	vld.idx.msk [tilespmem:v6+s21+$0x0], $0xffff;
	v4 =	vmul.f32 v5, v4  }
0x6e: {  	v9 =	vadd.f32 $-1.666666630e+00, v23  }
0x6f: {  	v12 =	vmul.f32 v23, v23;
	v7 =	vshll.u32 v7, $0x1;
	v4 =	vadd.f32 $1.000000000e+00, v4  }
0x70: {  	s17 =	sadd.s32 $0x3D0, s18;
	vm1 =	vlt.f32 v23, $5.000000000e+00;
	v18 =	vmul.f32 v13, v15;
	v7 =	vand.u32 $0x1E, v7  }
0x71: {  	p1 =	slt.s32 s31, s17;
	v9 =	vmul.f32 v9, v9;
	v7 =	vshrl.u32 v8, v7;
	v4 =	vmul.f32 v4, v3  }
0x72: {  	p0 =	sgt.s32 s30, s18;
	s17 =	smov.u32 @p1 s31;
	v8 =	vmul.f32 v16, v16;
	v22 =	vand.u32 $0x3, v7;
	v3 =	vmov s15  }
0x73: {  	s18 =	smov.u32 @p0 s30;
	v5 =	vmov s17;
	v14 =	vadd.s32 v3, v6;
	v11 =	vmul.f32 $5.000000000e-01, v4  }
0x74: {  	v7 =	vmul.f32 $3.000000000e+00, v8;
	v4 =	vmov s18;
	vm15 =	vlt.s32 v14, v5  }
0x75: {  	vm0 =	vge.s32 v14, v4;
	v14 =	vmul.f32 v15, v15;
	v11 =	vsub.f32 $5.000000000e-01, v11  }
0x76: {  	vm14 =	vlt.f32 v23, $4.500000000e+00;
	v20 =	vmul.f32 v13, v16;
	v12 =	vmul.f32 $-2.000000000e+00, v12  }
0x77: {  	v9 =	vmul.f32 $-2.000000000e+00, v9;
	v7 =	vsub.f32 v14, v7;
	v11 =	vnsel vm1, $0x0, v11  }
0x78: {  	v10 =	vld.idx.msk [tilespmem:v6+s23+$0x0], $0xffff;
	v6 =	vsel vm14, $0x3F800000, v11;
	v11 =	vmul.f32 $1.442695020e+00, v12;
	v12 =	vmul.f32 v13, v13  }
0x79: {  	v9 =	vmul.f32 $1.442695020e+00, v9;
	v19 =	vmul.f32 $3.000000000e+00, v14  }
0x7a: {  	v26 =	vmul.f32 v7, v15;
	v17 =	vmul.f32 $5.000000000e+00, v12  }
0x7b: {  	v14 =	vsub.f32 v14, v8;
	(erf) = vpow2.f32 v11;
	v11 =	vmul.f32 $2.000000030e-01, v23  }
0x7c: {  	v7 =	vmul.f32 $2.820948060e-01, v6;
	v12 =	vmul.f32 $3.000000000e+00, v12;
	v21 =	vadd.f32 $-1.000000000e+00, v17  }
0x7d: {  	(erf) = vpow2.f32 v9;
	v9 =	vadd.f32 $-3.000000000e+00, v17;
	v11 =	vmax.f32 v11, $9.999999970e-07  }
0x7e: {  	v17 =	vsub.f32 v19, v8;
	v8 =	vmul.f32 v6, v11;
	v24 =	vmul.f32 v21, v15  }
0x7f: {  	v10 =	vsub.s32 v10, v2;
	v19 =	vmul.f32 v21, v16;
	v21 =	vmul.f32 v9, v13  }
0x80: {  	v25 =	vmul.f32 v17, v16;
	v9 =	vshll.u32 v10, $0x2;
	v10 =	vmul.f32 v16, v15  }
0x81: {  	v6 =	vor.u32 v9, v22;
	v9 =	vmul.f32 $4.886025190e-01, v8;
	v17 =	vmul.f32 v8, v11  }
0x82: {  	vm0 =	vmand vm0, vm15;
	v22 =	vmul.f32 v14, v13;
	v28 =	vmul.f32 v13, v10  }
0x83: {  	v6 =	vmul.u32 $0x41, v6;
	v8 =	vmul.f32 v9, v15;
	v30 =	vmul.f32 $3.153915700e-01, v17  }
0x84: {  	v31 =	vmul.f32 v17, v11;
	v11 =	vadd.f32 $-1.000000000e+00, v12;
	v15 =	vmul.f32 v9, v16  }
0x85: {  	v32 =	vmul.f32 $5.462742450e-01, v17;
	v17 =	vmul.f32 $1.092548490e+00, v17;
	v6 =	vnsel vm0, $0x10400, v6  }
0x86: {  	v13 =	vmul.f32 v9, v13;
	v16 =	vadd.s32 $0x1, v6;
	v34 =	vmul.f32 $5.900436040e-01, v31  }
0x87: {  	v27 =	vpop (erf);
	v33 =	vadd.s32 $0x2, v6;
	v9 =	vmul.f32 v30, v11;
	v12 =	vmul.f32 v17, v20  }
0x88: {  	v30 =	vadd.s32 $0x3, v6;
	v11 =	vmul.f32 v17, v18;
	v29 =	vmul.f32 v7, v27  }
0x89: {  	v20 =	vadd.s32 $0x4, v6;
	v17 =	vmul.f32 v17, v10;
	v18 =	vmul.f32 v15, v27  }
0x8a: {  	v36 =	vadd.s32 $0x5, v6;
	v38 =	vmul.f32 $2.890611410e+00, v31;
	v35 =	vmul.f32 v13, v27;
	[tilespmem:v6+s10+$0x0] =	vst.idx.add.f32.msk $0xffff, v29  }
0x8b: {  	v37 =	vadd.s32 $0x6, v6;
	v51 =	vmul.f32 $3.731763360e-01, v31;
	[tilespmem:v16+s10+$0x0] =	vst.idx.add.f32.msk $0xffff, v18;
	v18 =	vmul.f32 v8, v27  }
0x8c: {  	v10 =	vmul.f32 v34, v25;
	v25 =	vadd.s32 $0x7, v6;
	v39 =	vmul.f32 v17, v27;
	[tilespmem:v33+s10+$0x0] =	vst.idx.add.f32.msk $0xffff, v35  }
0x8d: {  	v46 =	vadd.s32 $0x8, v6;
	v47 =	vmul.f32 v12, v27;
	v29 =	vmul.f32 v9, v27;
	[tilespmem:v30+s10+$0x0] =	vst.idx.add.f32.msk $0xffff, v18  }
0x8e: {  	v16 =	vmul.f32 v32, v14;
	v14 =	vmul.f32 v38, v28;
	v30 =	vadd.s32 $0x9, v6;
	[tilespmem:v20+s10+$0x0] =	vst.idx.add.f32.msk $0xffff, v39  }
0x8f: {  	v28 =	vadd.s32 $0xA, v6;
	v18 =	vmul.f32 $4.570457940e-01, v31;
	v20 =	vmul.f32 v11, v27;
	[tilespmem:v36+s10+$0x0] =	vst.idx.add.f32.msk $0xffff, v47  }
0x90: {  	v49 =	vadd.s32 $0xB, v6;
	v48 =	vmul.f32 v10, v27;
	v50 =	vmul.f32 v16, v27;
	[tilespmem:v37+s10+$0x0] =	vst.idx.add.f32.msk $0xffff, v29  }
0x91: {  	v52 =	vmul.f32 v14, v27;
	v19 =	vmul.f32 v18, v19;
	v29 =	vadd.s32 $0xC, v6;
	[tilespmem:v25+s10+$0x0] =	vst.idx.add.f32.msk $0xffff, v20  }
0x92: {  	v25 =	vadd.s32 $0xD, v6;
	v20 =	vmul.f32 v51, v21;
	v21 =	vmul.f32 $1.445305710e+00, v31;
	[tilespmem:v46+s10+$0x0] =	vst.idx.add.f32.msk $0xffff, v50  }
0x93: {  	v18 =	vmul.f32 v18, v24;
	v31 =	vadd.s32 $0xE, v6;
	v24 =	vmul.f32 v19, v27;
	[tilespmem:v30+s10+$0x0] =	vst.idx.add.f32.msk $0xffff, v48  }
0x94: {  	v30 =	vadd.s32 $0xF, v6;
	v21 =	vmul.f32 v21, v22;
	v53 =	vmul.f32 v20, v27;
	[tilespmem:v28+s10+$0x0] =	vst.idx.add.f32.msk $0xffff, v52  }
0x95: {  	v22 =	vmul.f32 v34, v26;
	v28 =	vmul.f32 v18, v27;
	[tilespmem:v49+s10+$0x0] =	vst.idx.add.f32.msk $0xffff, v24;
	v24 =	vadd.s32 $0x10, v6  }
0x96: {  	v54 =	vadd.s32 $0x11, v6;
	v26 =	vadd.f32 $-3.333333250e+00, v23;
	v55 =	vmul.f32 v21, v27;
	[tilespmem:v29+s10+$0x0] =	vst.idx.add.f32.msk $0xffff, v53  }
0x97: {  	v27 =	vmul.f32 v22, v27;
	v29 =	vpop (erf);
	[tilespmem:v25+s10+$0x0] =	vst.idx.add.f32.msk $0xffff, v28;
	v25 =	vadd.s32 $0x12, v6  }
0x98: {  	v26 =	vmul.f32 v26, v26;
	v28 =	vmul.f32 v7, v29;
	[tilespmem:v31+s10+$0x0] =	vst.idx.add.f32.msk $0xffff, v55;
	v31 =	vadd.s32 $0x13, v6  }
0x99: {  	[tilespmem:v30+s10+$0x0] =	vst.idx.add.f32.msk $0xffff, v27;
	v27 =	vmul.f32 v15, v29;
	v30 =	vadd.s32 $0x14, v6  }
0x9a: {  	v26 =	vmul.f32 $-2.000000000e+00, v26;
	[tilespmem:v24+s10+$0x0] =	vst.idx.add.f32.msk $0xffff, v28;
	v24 =	vmul.f32 v13, v29;
	v28 =	vadd.s32 $0x15, v6  }
0x9b: {  	v56 =	vadd.s32 $0x16, v6;
	[tilespmem:v54+s10+$0x0] =	vst.idx.add.f32.msk $0xffff, v27;
	v27 =	vmul.f32 v8, v29  }
0x9c: {  	v26 =	vmul.f32 $1.442695020e+00, v26;
	[tilespmem:v25+s10+$0x0] =	vst.idx.add.f32.msk $0xffff, v24;
	v24 =	vmul.f32 v17, v29;
	v25 =	vadd.s32 $0x17, v6  }
0x9d: {  	v57 =	vadd.s32 $0x18, v6;
	[tilespmem:v31+s10+$0x0] =	vst.idx.add.f32.msk $0xffff, v27;
	v27 =	vmul.f32 v12, v29  }
0x9e: {  	(erf) = vpow2.f32 v26;
	v26 =	vadd.s32 $0x19, v6;
	[tilespmem:v30+s10+$0x0] =	vst.idx.add.f32.msk $0xffff, v24;
	v24 =	vmul.f32 v9, v29  }
0x9f: {  	[tilespmem:v28+s10+$0x0] =	vst.idx.add.f32.msk $0xffff, v27;
	v27 =	vmul.f32 v11, v29;
	v28 =	vadd.s32 $0x1A, v6  }
0xa0: {  	v30 =	vadd.s32 $0x1B, v6;
	[tilespmem:v56+s10+$0x0] =	vst.idx.add.f32.msk $0xffff, v24;
	v24 =	vmul.f32 v16, v29  }
0xa1: {  	v31 =	vadd.s32 $0x1C, v6;
	[tilespmem:v25+s10+$0x0] =	vst.idx.add.f32.msk $0xffff, v27;
	v25 =	vmul.f32 v10, v29  }
0xa2: {  	v27 =	vadd.s32 $0x1D, v6;
	[tilespmem:v57+s10+$0x0] =	vst.idx.add.f32.msk $0xffff, v24;
	v24 =	vmul.f32 v14, v29  }
0xa3: {  	[tilespmem:v26+s10+$0x0] =	vst.idx.add.f32.msk $0xffff, v25;
	v25 =	vmul.f32 v19, v29;
	v26 =	vadd.s32 $0x1E, v6  }
0xa4: {  	v58 =	vadd.s32 $0x1F, v6;
	[tilespmem:v28+s10+$0x0] =	vst.idx.add.f32.msk $0xffff, v24;
	v24 =	vmul.f32 v20, v29  }
0xa5: {  	v28 =	vmul.f32 v18, v29;
	[tilespmem:v30+s10+$0x0] =	vst.idx.add.f32.msk $0xffff, v25;
	v30 =	vadd.s32 $0x20, v6  }
0xa6: {  	v59 =	vadd.s32 $0x21, v6;
	v23 =	vadd.f32 $-5.000000000e+00, v23;
	[tilespmem:v31+s10+$0x0] =	vst.idx.add.f32.msk $0xffff, v24;
	v24 =	vmul.f32 v21, v29  }
0xa7: {  	v31 =	vadd.s32 $0x22, v6;
	v25 =	vpop (erf);
	[tilespmem:v27+s10+$0x0] =	vst.idx.add.f32.msk $0xffff, v28;
	v27 =	vmul.f32 v22, v29  }
0xa8: {  	v23 =	vmul.f32 v23, v23;
	v29 =	vadd.s32 $0x23, v6;
	[tilespmem:v26+s10+$0x0] =	vst.idx.add.f32.msk $0xffff, v24;
	v24 =	vmul.f32 v7, v25  }
0xa9: {  	v60 =	vadd.s32 $0x24, v6;
	v26 =	vmul.f32 v15, v25;
	[tilespmem:v58+s10+$0x0] =	vst.idx.add.f32.msk $0xffff, v27  }
0xaa: {  	v61 =	vadd.s32 $0x25, v6;
	v23 =	vmul.f32 $-2.000000000e+00, v23;
	[tilespmem:v30+s10+$0x0] =	vst.idx.add.f32.msk $0xffff, v24;
	v24 =	vmul.f32 v13, v25  }
0xab: {  	v27 =	vmul.f32 v8, v25;
	[tilespmem:v59+s10+$0x0] =	vst.idx.add.f32.msk $0xffff, v26;
	v26 =	vadd.s32 $0x26, v6  }
0xac: {  	v62 =	vmul.f32 $1.442695020e+00, v23;
	v30 =	vadd.s32 $0x27, v6;
	[tilespmem:v31+s10+$0x0] =	vst.idx.add.f32.msk $0xffff, v24;
	v24 =	vmul.f32 v17, v25  }
0xad: {  	v23 =	vadd.s32 $0x2B, v6;
	v63 =	vmul.f32 v12, v25;
	[tilespmem:v29+s10+$0x0] =	vst.idx.add.f32.msk $0xffff, v27;
	v29 =	vadd.s32 $0x28, v6  }
0xae: {  	(erf) = vpow2.f32 v62;
	v31 =	vmul.f32 v9, v25;
	v27 =	vadd.s32 $0x29, v6;
	[tilespmem:v60+s10+$0x0] =	vst.idx.add.f32.msk $0xffff, v24  }
0xaf: {  	s18 =	simm.s32 $0x1;
	v28 =	vmul.f32 v16, v25;
	v32 =	vmul.f32 v11, v25;
	v24 =	vadd.s32 $0x2A, v6;
	[tilespmem:v61+s10+$0x0] =	vst.idx.add.f32.msk $0xffff, v63  }
.LBB2_7:
0xb0: {  	p0 =	sne.s32 s18, $0x3C;
	[tilespmem:v26+s10+$0x0] =	vst.idx.add.f32.msk $0xffff, v31;
	s15 =	smov.u32 s18;
	s18 =	sadd.s32 $0x1, s18  }
0xb1: {  	v31 =	vadd.s32 $0x2C, v6;
	[tilespmem:v30+s10+$0x0] =	vst.idx.add.f32.msk $0xffff, v32;
	v30 =	vmul.f32 v10, v25  }
0xb2: {  	v26 =	vadd.s32 s15, v1;
	[tilespmem:v29+s10+$0x0] =	vst.idx.add.f32.msk $0xffff, v28;
	v28 =	vmul.f32 v14, v25;
	v29 =	vadd.s32 $0x2D, v6  }
0xb3: {  	v32 =	vadd.s32 v3, v26;
	[tilespmem:v27+s10+$0x0] =	vst.idx.add.f32.msk $0xffff, v30;
	v27 =	vmul.f32 v19, v25;
	v30 =	vadd.s32 $0x2E, v6  }
0xb4: {  	vm0 =	vge.s32 v32, v4;
	[tilespmem:v24+s10+$0x0] =	vst.idx.add.f32.msk $0xffff, v28;
	v24 =	vmul.f32 v20, v25;
	v28 =	vadd.s32 $0x2F, v6  }
0xb5: {  	vm1 =	vlt.s32 v32, v5;
	[tilespmem:v23+s10+$0x0] =	vst.idx.add.f32.msk $0xffff, v27;
	v23 =	vmul.f32 v18, v25;
	v27 =	vadd.s32 $0x30, v6  }
0xb6: {  	vm0 =	vmand vm0, vm1;
	[tilespmem:v31+s10+$0x0] =	vst.idx.add.f32.msk $0xffff, v24;
	v24 =	vmul.f32 v21, v25;
	v31 =	vadd.s32 $0x31, v6  }
0xb7: {  	[tilespmem:v29+s10+$0x0] =	vst.idx.add.f32.msk $0xffff, v23;
	v23 =	vmul.f32 v22, v25;
	v25 =	vadd.s32 $0x32, v6;
	v29 =	vpop (erf)  }
0xb8: {  	[tilespmem:v30+s10+$0x0] =	vst.idx.add.f32.msk $0xffff, v24;
	v7 =	vmul.f32 v7, v29;
	v24 =	vadd.s32 $0x33, v6  }
0xb9: {  	v15 =	vmul.f32 v15, v29;
	[tilespmem:v28+s10+$0x0] =	vst.idx.add.f32.msk $0xffff, v23;
	v23 =	vadd.s32 $0x34, v6  }
0xba: {  	[tilespmem:v27+s10+$0x0] =	vst.idx.add.f32.msk $0xffff, v7;
	v7 =	vmul.f32 v13, v29;
	v13 =	vadd.s32 $0x35, v6  }
0xbb: {  	v8 =	vmul.f32 v8, v29;
	[tilespmem:v31+s10+$0x0] =	vst.idx.add.f32.msk $0xffff, v15;
	v15 =	vadd.s32 $0x36, v6  }
0xbc: {  	[tilespmem:v25+s10+$0x0] =	vst.idx.add.f32.msk $0xffff, v7;
	v7 =	vmul.f32 v17, v29;
	v17 =	vadd.s32 $0x37, v6  }
0xbd: {  	[tilespmem:v24+s10+$0x0] =	vst.idx.add.f32.msk $0xffff, v8;
	v8 =	vmul.f32 v12, v29;
	v12 =	vadd.s32 $0x38, v6  }
0xbe: {  	[tilespmem:v23+s10+$0x0] =	vst.idx.add.f32.msk $0xffff, v7;
	v7 =	vmul.f32 v9, v29;
	v9 =	vadd.s32 $0x39, v6  }
0xbf: {  	[tilespmem:v13+s10+$0x0] =	vst.idx.add.f32.msk $0xffff, v8;
	v8 =	vmul.f32 v11, v29;
	v11 =	vadd.s32 $0x3A, v6  }
0xc0: {  	v13 =	vadd.s32 $0x3B, v6;
	[tilespmem:v15+s10+$0x0] =	vst.idx.add.f32.msk $0xffff, v7;
	v7 =	vmul.f32 v16, v29  }
0xc1: {  	[tilespmem:v17+s10+$0x0] =	vst.idx.add.f32.msk $0xffff, v8;
	v8 =	vmul.f32 v10, v29;
	v10 =	vadd.s32 $0x3C, v6  }
0xc2: {  	[tilespmem:v12+s10+$0x0] =	vst.idx.add.f32.msk $0xffff, v7;
	v7 =	vmul.f32 v14, v29;
	v12 =	vadd.s32 $0x3D, v6  }
0xc3: {  	[tilespmem:v9+s10+$0x0] =	vst.idx.add.f32.msk $0xffff, v8;
	v8 =	vmul.f32 v19, v29;
	v9 =	vadd.s32 $0x3E, v6  }
0xc4: {  	v6 =	vadd.s32 $0x3F, v6;
	[tilespmem:v11+s10+$0x0] =	vst.idx.add.f32.msk $0xffff, v7;
	v7 =	vmul.f32 v20, v29  }
0xc5: {  	[tilespmem:v13+s10+$0x0] =	vst.idx.add.f32.msk $0xffff, v8;
	v8 =	vmul.f32 v18, v29  }
0xc6: {  	[tilespmem:v10+s10+$0x0] =	vst.idx.add.f32.msk $0xffff, v7;
	v7 =	vmul.f32 v21, v29  }
0xc7: {  	[tilespmem:v12+s10+$0x0] =	vst.idx.add.f32.msk $0xffff, v8;
	v8 =	vmul.f32 v22, v29  }
0xc8: {  	[tilespmem:v9+s10+$0x0] =	vst.idx.add.f32.msk $0xffff, v7  }
0xc9: {  	[tilespmem:v6+s10+$0x0] =	vst.idx.add.f32.msk $0xffff, v8  }
0xca: {  	v7 =	vld.idx.msk [tilespmem:v26+s19+$0x0], $0xffff;
	_ =	sdelay $0x5  }
0xcb: {  	v6 =	vadd.f32 $-4.500000000e+00, v7;
	v8 =	vadd.f32 $-1.666666630e+00, v7  }
0xcc: {  	v10 =	vadd.f32 $-3.333333250e+00, v7;
	v11 =	vadd.f32 $-5.000000000e+00, v7;
	v9 =	vld.idx.msk [tilespmem:v26+s24+$0x0], $0xffff  }
0xcd: {  	v6 =	vadd.f32 v6, v6;
	v8 =	vmul.f32 v8, v8  }
0xce: {  	v10 =	vmul.f32 v10, v10;
	v11 =	vmul.f32 v11, v11  }
0xcf: {  	v6 =	vmax.f32 v6, $0.0e+00;
	v8 =	vmul.f32 $-2.000000000e+00, v8  }
0xd0: {  	v10 =	vmul.f32 $-2.000000000e+00, v10;
	v11 =	vmul.f32 $-2.000000000e+00, v11;
	v6 =	vmin.f32 v6, $1.000000000e+00  }
0xd1: {  	v6 =	vadd.f32 $-5.000000000e-01, v6;
	v8 =	vmul.f32 $1.442695020e+00, v8  }
0xd2: {  	v10 =	vmul.f32 $1.442695020e+00, v10;
	v12 =	vshrl.u32 v9, $0x4;
	v9 =	vshll.u32 v9, $0x1  }
0xd3: {  	v13 =	vmul.f32 $3.141592740e+00, v6;
	v6 =	vmul.f32 v7, v7  }
0xd4: {  	v24 =	vmul.f32 $1.442695020e+00, v11  }
0xd5: {  	v11 =	vmul.f32 v13, v13;
	v6 =	vmul.f32 $-2.000000000e+00, v6  }
0xd6: {  	v14 =	vld.idx.msk [tilespmem:v26+s23+$0x0], $0xffff  }
0xd7: {  	v15 =	vmul.f32 $-2.505210790e-08, v11;
	v6 =	vmul.f32 $1.442695020e+00, v6;
	v12 =	vld.idx.msk [tilespmem:v12+s16+$0x0], $0xffff;
	_ =	sdelay $0x1  }
0xd8: {  	v15 =	vadd.f32 $2.755731880e-06, v15;
	(erf) = vpow2.f32 v6;
	_ =	sdelay $0x1  }
0xd9: {  	v6 =	vmul.f32 v15, v11  }
0xda: {  	v9 =	vand.u32 $0x1E, v9;
	v14 =	vsub.s32 v14, v2;
	v15 =	vld.idx.msk [tilespmem:v26+s20+$0x0], $0xffff  }
0xdb: {  	v9 =	vshrl.u32 v12, v9;
	v6 =	vadd.f32 $-1.984127010e-04, v6;
	v16 =	vld.idx.msk [tilespmem:v26+s22+$0x0], $0xffff  }
0xdc: {  	v12 =	vshll.u32 v14, $0x2;
	v14 =	vmul.f32 $2.000000030e-01, v7;
	v9 =	vand.u32 $0x3, v9  }
0xdd: {  	vm1 =	vlt.f32 v7, $4.500000000e+00;
	v9 =	vor.u32 v12, v9;
	v6 =	vmul.f32 v6, v11  }
0xde: {  	v12 =	vmax.f32 v14, $9.999999970e-07;
	v9 =	vmul.u32 $0x41, v9  }
0xdf: {  	v17 =	vadd.f32 $8.333333770e-03, v6;
	v14 =	vld.idx.msk [tilespmem:v26+s21+$0x0], $0xffff  }
0xe0: {  	v6 =	vnsel vm0, $0x10400, v9;
	v9 =	vmul.f32 v15, v15;
	v27 =	vpop (erf)  }
0xe1: {  	v17 =	vmul.f32 v17, v11;
	v18 =	vmul.f32 v16, v15;
	v23 =	vadd.s32 $0x2B, v6  }
0xe2: {  	v19 =	vmul.f32 v16, v16;
	v20 =	vmul.f32 $3.000000000e+00, v9  }
0xe3: {  	v17 =	vadd.f32 $-1.666666720e-01, v17  }
0xe4: {  	v21 =	vmul.f32 $5.000000000e+00, v19  }
0xe5: {  	v11 =	vmul.f32 v17, v11;
	v17 =	vmul.f32 v16, v14  }
0xe6: {  	v22 =	vmul.f32 v14, v14;
	v25 =	vadd.f32 $-1.000000000e+00, v21;
	(erf) = vpow2.f32 v8  }
0xe7: {  	v8 =	vadd.f32 $1.000000000e+00, v11;
	v11 =	vadd.f32 $-3.000000000e+00, v21;
	v21 =	vadd.s32 $0x2, v6  }
0xe8: {  	v29 =	vadd.s32 $0x1, v6;
	v28 =	vmul.f32 v25, v15;
	v26 =	vmul.f32 $3.000000000e+00, v22  }
0xe9: {  	v31 =	vadd.s32 $0x8, v6;
	v30 =	vmul.f32 v25, v14;
	v8 =	vmul.f32 v8, v13  }
0xea: {  	v13 =	vmul.f32 $3.000000000e+00, v19;
	v32 =	vmul.f32 v11, v16;
	v19 =	vadd.s32 $0x3, v6  }
0xeb: {  	v11 =	vsub.f32 v20, v22;
	v20 =	vadd.s32 $0x4, v6;
	v8 =	vmul.f32 $5.000000000e-01, v8  }
0xec: {  	v34 =	vadd.s32 $0x5, v6;
	v33 =	vadd.f32 $-1.000000000e+00, v13;
	v13 =	vsub.f32 v9, v26  }
0xed: {  	v36 =	vadd.s32 $0x6, v6;
	v35 =	vmul.f32 v11, v14;
	v8 =	vsub.f32 $5.000000000e-01, v8  }
0xee: {  	vm0 =	vlt.f32 v7, $5.000000000e+00;
	v38 =	vadd.s32 $0x7, v6;
	v37 =	vmul.f32 v13, v15  }
0xef: {  	v39 =	vadd.s32 $0x9, v6;
	v7 =	vnsel vm0, $0x0, v8;
	v26 =	vpop (erf);
	(erf) = vpow2.f32 v10  }
0xf0: {  	v40 =	vadd.s32 $0xA, v6;
	v22 =	vsub.f32 v9, v22;
	v7 =	vsel vm1, $0x3F800000, v7  }
0xf1: {  	v41 =	vadd.s32 $0xB, v6;
	v8 =	vmul.f32 v7, v12;
	v7 =	vmul.f32 $2.820948060e-01, v7  }
0xf2: {  	v43 =	vadd.s32 $0xC, v6;
	v42 =	vmul.f32 v22, v16;
	v10 =	vmul.f32 v14, v15  }
0xf3: {  	v44 =	vadd.s32 $0xD, v6;
	v9 =	vmul.f32 v8, v12;
	v11 =	vmul.f32 $4.886025190e-01, v8  }
0xf4: {  	v47 =	vadd.s32 $0xE, v6;
	v45 =	vmul.f32 v16, v10;
	v46 =	vmul.f32 v7, v27  }
0xf5: {  	v49 =	vadd.s32 $0xF, v6;
	v8 =	vmul.f32 v11, v15;
	v48 =	vmul.f32 $3.153915700e-01, v9  }
0xf6: {  	v50 =	vmul.f32 v9, v12;
	v15 =	vmul.f32 v11, v14  }
0xf7: {  	v51 =	vadd.s32 $0x11, v6;
	v13 =	vmul.f32 v11, v16;
	v14 =	vmul.f32 $5.462742450e-01, v9  }
0xf8: {  	v16 =	vmul.f32 $1.092548490e+00, v9;
	v52 =	vmul.f32 $5.900436040e-01, v50;
	v25 =	vpop (erf)  }
0xf9: {  	v9 =	vmul.f32 v48, v33;
	v33 =	vmul.f32 v13, v27  }
0xfa: {  	v12 =	vmul.f32 v16, v17;
	v11 =	vmul.f32 v16, v18;
	[tilespmem:v6+s10+$0x0] =	vst.idx.add.f32.msk $0xffff, v46  }
0xfb: {  	v17 =	vmul.f32 v16, v10;
	v46 =	vmul.f32 v9, v27  }
0xfc: {  	v18 =	vmul.f32 v15, v27;
	v10 =	vmul.f32 v52, v35  }
0xfd: {  	v35 =	vmul.f32 $2.890611410e+00, v50;
	v48 =	vmul.f32 v17, v27  }
0xfe: {  	v54 =	vadd.s32 $0x18, v6;
	v16 =	vmul.f32 v14, v22;
	v53 =	vmul.f32 v10, v27  }
0xff: {  	v14 =	vmul.f32 v35, v45;
	[tilespmem:v29+s10+$0x0] =	vst.idx.add.f32.msk $0xffff, v18;
	v18 =	vmul.f32 v8, v27;
	v29 =	vadd.s32 $0x19, v6  }
0x100: {  	v22 =	vmul.f32 v16, v27;
	[tilespmem:v21+s10+$0x0] =	vst.idx.add.f32.msk $0xffff, v33;
	v21 =	vmul.f32 v12, v27  }
0x101: {  	v45 =	vadd.s32 $0x1B, v6;
	v35 =	vmul.f32 v14, v27;
	v33 =	vmul.f32 $4.570457940e-01, v50;
	[tilespmem:v19+s10+$0x0] =	vst.idx.add.f32.msk $0xffff, v18  }
0x102: {  	v56 =	vadd.s32 $0x1C, v6;
	v55 =	vmul.f32 $3.731763360e-01, v50;
	[tilespmem:v20+s10+$0x0] =	vst.idx.add.f32.msk $0xffff, v48;
	v48 =	vmul.f32 v11, v27  }
0x103: {  	v19 =	vmul.f32 v33, v30;
	v18 =	vmul.f32 v33, v28;
	[tilespmem:v34+s10+$0x0] =	vst.idx.add.f32.msk $0xffff, v21  }
0x104: {  	v20 =	vmul.f32 v55, v32;
	v21 =	vmul.f32 $1.445305710e+00, v50;
	[tilespmem:v36+s10+$0x0] =	vst.idx.add.f32.msk $0xffff, v46  }
0x105: {  	v33 =	vadd.s32 $0x1F, v6;
	v30 =	vmul.f32 v19, v27;
	v32 =	vmul.f32 v18, v27;
	[tilespmem:v38+s10+$0x0] =	vst.idx.add.f32.msk $0xffff, v48  }
0x106: {  	v21 =	vmul.f32 v21, v42;
	[tilespmem:v31+s10+$0x0] =	vst.idx.add.f32.msk $0xffff, v22;
	v31 =	vmul.f32 v20, v27  }
0x107: {  	v28 =	vmul.f32 v16, v25;
	v34 =	vadd.s32 $0x21, v6;
	v22 =	vmul.f32 v52, v37;
	[tilespmem:v39+s10+$0x0] =	vst.idx.add.f32.msk $0xffff, v53  }
0x108: {  	v36 =	vadd.s32 $0x22, v6;
	[tilespmem:v40+s10+$0x0] =	vst.idx.add.f32.msk $0xffff, v35;
	v35 =	vmul.f32 v21, v27  }
0x109: {  	v37 =	vadd.s32 $0x23, v6;
	v27 =	vmul.f32 v22, v27;
	[tilespmem:v41+s10+$0x0] =	vst.idx.add.f32.msk $0xffff, v30;
	v30 =	vadd.s32 $0x10, v6  }
0x10a: {  	[tilespmem:v43+s10+$0x0] =	vst.idx.add.f32.msk $0xffff, v31;
	v31 =	vadd.s32 $0x24, v6  }
0x10b: {  	[tilespmem:v44+s10+$0x0] =	vst.idx.add.f32.msk $0xffff, v32;
	v32 =	vadd.s32 $0x12, v6  }
0x10c: {  	v38 =	vadd.s32 $0x13, v6;
	[tilespmem:v47+s10+$0x0] =	vst.idx.add.f32.msk $0xffff, v35;
	v35 =	vmul.f32 v7, v26  }
0x10d: {  	v39 =	vadd.s32 $0x14, v6;
	[tilespmem:v49+s10+$0x0] =	vst.idx.add.f32.msk $0xffff, v27;
	v27 =	vmul.f32 v15, v26  }
0x10e: {  	[tilespmem:v30+s10+$0x0] =	vst.idx.add.f32.msk $0xffff, v35;
	v30 =	vmul.f32 v13, v26;
	v35 =	vadd.s32 $0x15, v6  }
0x10f: {  	v40 =	vadd.s32 $0x16, v6;
	[tilespmem:v51+s10+$0x0] =	vst.idx.add.f32.msk $0xffff, v27;
	v27 =	vmul.f32 v8, v26  }
0x110: {  	[tilespmem:v32+s10+$0x0] =	vst.idx.add.f32.msk $0xffff, v30;
	v30 =	vmul.f32 v17, v26;
	v32 =	vadd.s32 $0x17, v6  }
0x111: {  	[tilespmem:v38+s10+$0x0] =	vst.idx.add.f32.msk $0xffff, v27;
	v27 =	vmul.f32 v12, v26  }
0x112: {  	[tilespmem:v39+s10+$0x0] =	vst.idx.add.f32.msk $0xffff, v30;
	v30 =	vmul.f32 v9, v26  }
0x113: {  	[tilespmem:v35+s10+$0x0] =	vst.idx.add.f32.msk $0xffff, v27;
	v27 =	vmul.f32 v11, v26;
	v35 =	vadd.s32 $0x1A, v6  }
0x114: {  	[tilespmem:v40+s10+$0x0] =	vst.idx.add.f32.msk $0xffff, v30;
	v30 =	vmul.f32 v16, v26  }
0x115: {  	[tilespmem:v32+s10+$0x0] =	vst.idx.add.f32.msk $0xffff, v27;
	v27 =	vmul.f32 v10, v26  }
0x116: {  	v32 =	vadd.s32 $0x1D, v6;
	[tilespmem:v54+s10+$0x0] =	vst.idx.add.f32.msk $0xffff, v30;
	v30 =	vmul.f32 v14, v26  }
0x117: {  	[tilespmem:v29+s10+$0x0] =	vst.idx.add.f32.msk $0xffff, v27;
	v27 =	vmul.f32 v19, v26;
	v29 =	vadd.s32 $0x1E, v6  }
0x118: {  	[tilespmem:v35+s10+$0x0] =	vst.idx.add.f32.msk $0xffff, v30;
	v30 =	vmul.f32 v20, v26  }
0x119: {  	v35 =	vadd.s32 $0x20, v6;
	[tilespmem:v45+s10+$0x0] =	vst.idx.add.f32.msk $0xffff, v27;
	v27 =	vmul.f32 v18, v26  }
0x11a: {  	[tilespmem:v56+s10+$0x0] =	vst.idx.add.f32.msk $0xffff, v30;
	v30 =	vmul.f32 v21, v26  }
0x11b: {  	v26 =	vmul.f32 v22, v26;
	[tilespmem:v32+s10+$0x0] =	vst.idx.add.f32.msk $0xffff, v27  }
0x11c: {  	v27 =	vmul.f32 v7, v25;
	[tilespmem:v29+s10+$0x0] =	vst.idx.add.f32.msk $0xffff, v30  }
0x11d: {  	[tilespmem:v33+s10+$0x0] =	vst.idx.add.f32.msk $0xffff, v26;
	v26 =	vmul.f32 v15, v25  }
0x11e: {  	v32 =	vadd.s32 $0x25, v6;
	[tilespmem:v35+s10+$0x0] =	vst.idx.add.f32.msk $0xffff, v27;
	v27 =	vmul.f32 v13, v25  }
.Ltmp2:
0x11f: {  	v29 =	vmul.f32 v8, v25;
	[tilespmem:v34+s10+$0x0] =	vst.idx.add.f32.msk $0xffff, v26;
	v26 =	vadd.s32 $0x26, v6;
	(pc) =	sbr.rel @p0 .LBB2_7-.Ltmp2, $4  }
0x120: {  	v30 =	vadd.s32 $0x27, v6;
	[tilespmem:v36+s10+$0x0] =	vst.idx.add.f32.msk $0xffff, v27;
	v27 =	vmul.f32 v17, v25  }
0x121: {  	v33 =	vmul.f32 v12, v25;
	[tilespmem:v37+s10+$0x0] =	vst.idx.add.f32.msk $0xffff, v29;
	v29 =	vadd.s32 $0x28, v6  }
0x122: {  	[tilespmem:v31+s10+$0x0] =	vst.idx.add.f32.msk $0xffff, v27;
	v31 =	vmul.f32 v9, v25;
	v27 =	vadd.s32 $0x29, v6;
	(erf) = vpow2.f32 v24  }
0x123: {  	v24 =	vadd.s32 $0x2A, v6;
	[tilespmem:v32+s10+$0x0] =	vst.idx.add.f32.msk $0xffff, v33;
	v32 =	vmul.f32 v11, v25  }
0x124: {  	_ =	sdelay $0x3  }
0x125: {  	[tilespmem:v26+s10+$0x0] =	vst.idx.add.f32.msk $0xffff, v31  }
0x126: {  	v3 =	vmul.f32 v10, v25;
	v4 =	vadd.s32 $0x2C, v6;
	[tilespmem:v30+s10+$0x0] =	vst.idx.add.f32.msk $0xffff, v32  }
0x127: {  	v5 =	vmul.f32 v14, v25;
	v34 =	vadd.s32 $0x2D, v6;
	[tilespmem:v29+s10+$0x0] =	vst.idx.add.f32.msk $0xffff, v28  }
0x128: {  	v35 =	vadd.s32 $0x2E, v6;
	[tilespmem:v27+s10+$0x0] =	vst.idx.add.f32.msk $0xffff, v3;
	v3 =	vmul.f32 v19, v25  }
0x129: {  	v36 =	vmul.f32 v20, v25;
	v37 =	vadd.s32 $0x2F, v6;
	[tilespmem:v24+s10+$0x0] =	vst.idx.add.f32.msk $0xffff, v5  }
0x12a: {  	v38 =	vadd.s32 $0x30, v6;
	[tilespmem:v23+s10+$0x0] =	vst.idx.add.f32.msk $0xffff, v3;
	v3 =	vmul.f32 v18, v25  }
0x12b: {  	v39 =	vmul.f32 v21, v25;
	v40 =	vadd.s32 $0x31, v6;
	[tilespmem:v4+s10+$0x0] =	vst.idx.add.f32.msk $0xffff, v36  }
0x12c: {  	v41 =	vadd.s32 $0x32, v6;
	[tilespmem:v34+s10+$0x0] =	vst.idx.add.f32.msk $0xffff, v3;
	v3 =	vmul.f32 v22, v25;
	v42 =	vpop (erf)  }
0x12d: {  	v44 =	vadd.s32 $0x33, v6;
	[tilespmem:v35+s10+$0x0] =	vst.idx.add.f32.msk $0xffff, v39;
	v43 =	vmul.f32 v7, v42  }
0x12e: {  	v45 =	vadd.s32 $0x34, v6;
	[tilespmem:v37+s10+$0x0] =	vst.idx.add.f32.msk $0xffff, v3;
	v3 =	vmul.f32 v15, v42  }
0x12f: {  	v47 =	vadd.s32 $0x35, v6;
	v46 =	vmul.f32 v13, v42;
	[tilespmem:v38+s10+$0x0] =	vst.idx.add.f32.msk $0xffff, v43  }
0x130: {  	v48 =	vadd.s32 $0x36, v6;
	[tilespmem:v40+s10+$0x0] =	vst.idx.add.f32.msk $0xffff, v3;
	v3 =	vmul.f32 v8, v42  }
0x131: {  	v50 =	vadd.s32 $0x37, v6;
	v49 =	vmul.f32 v17, v42;
	[tilespmem:v41+s10+$0x0] =	vst.idx.add.f32.msk $0xffff, v46  }
0x132: {  	v51 =	vadd.s32 $0x38, v6;
	[tilespmem:v44+s10+$0x0] =	vst.idx.add.f32.msk $0xffff, v3;
	v3 =	vmul.f32 v12, v42  }
0x133: {  	v53 =	vadd.s32 $0x39, v6;
	v52 =	vmul.f32 v9, v42;
	[tilespmem:v45+s10+$0x0] =	vst.idx.add.f32.msk $0xffff, v49  }
0x134: {  	v54 =	vadd.s32 $0x3A, v6;
	[tilespmem:v47+s10+$0x0] =	vst.idx.add.f32.msk $0xffff, v3;
	v3 =	vmul.f32 v11, v42  }
0x135: {  	v56 =	vadd.s32 $0x3B, v6;
	v55 =	vmul.f32 v16, v42;
	[tilespmem:v48+s10+$0x0] =	vst.idx.add.f32.msk $0xffff, v52  }
0x136: {  	v57 =	vadd.s32 $0x3C, v6;
	[tilespmem:v50+s10+$0x0] =	vst.idx.add.f32.msk $0xffff, v3;
	v3 =	vmul.f32 v10, v42  }
0x137: {  	v59 =	vadd.s32 $0x3D, v6;
	v58 =	vmul.f32 v14, v42;
	[tilespmem:v51+s10+$0x0] =	vst.idx.add.f32.msk $0xffff, v55  }
0x138: {  	v60 =	vadd.s32 $0x3E, v6;
	s8 =	sadd.s32 $0x1, s8;
	[tilespmem:v53+s10+$0x0] =	vst.idx.add.f32.msk $0xffff, v3;
	v3 =	vmul.f32 v19, v42  }
0x139: {  	v62 =	vadd.s32 $0x3F, v6;
	p0 =	sne.s32 s8, s11;
	v61 =	vmul.f32 v20, v42;
	[tilespmem:v54+s10+$0x0] =	vst.idx.add.f32.msk $0xffff, v58  }
.Ltmp3:
0x13a: {  	[tilespmem:v56+s10+$0x0] =	vst.idx.add.f32.msk $0xffff, v3;
	v3 =	vmul.f32 v18, v42;
	(pc) =	sbr.rel @p0 .LBB2_6-.Ltmp3, $4  }
0x13b: {  	v63 =	vmul.f32 v21, v42;
	[tilespmem:v57+s10+$0x0] =	vst.idx.add.f32.msk $0xffff, v61  }
0x13c: {  	[tilespmem:v59+s10+$0x0] =	vst.idx.add.f32.msk $0xffff, v3;
	v3 =	vmul.f32 v22, v42  }
0x13d: {  	[tilespmem:v60+s10+$0x0] =	vst.idx.add.f32.msk $0xffff, v63  }
0x13e: {  	[tilespmem:v62+s10+$0x0] =	vst.idx.add.f32.msk $0xffff, v3  }
.LBB2_9:
0x13f: {  	s7 =	simm.s32 $0x0  }
0x140: {  	v2 =	vld [tilespmem:s7+$0x0];
	_ =	sdelay $0x3  }
0x141: {  	s4 =	simm.s32 $0x20  }
0x142: {  	[tilespmem:s4+$0xFFFFFFE0] =	vst v2  }
0x143: {  	v2 =	vld [tilespmem:s7+$0x10];
	_ =	sdelay $0x4  }
0x144: {  	[tilespmem:s4+$0xFFFFFFF0] =	vst v2  }
0x145: {  	v2 =	vld [tilespmem:s7+$0x20];
	_ =	sdelay $0x4  }
0x146: {  	[tilespmem:s4+$0x0] =	vst v2  }
0x147: {  	v2 =	vld [tilespmem:s7+$0x30];
	_ =	sdelay $0x4  }
0x148: {  	s8 =	simm.s32 $0x208;
	s7 =	simm.s32 $0x41;
	[tilespmem:s4+$0x10] =	vst v2  }
.LBB2_10:
0x149: {  	p0 =	sne.s32 s8, $0x40EFC;
	v2 =	vld [tilespmem:s7+$0x0];
	_ =	sdelay $0x3  }
0x14a: {  	s4 =	sadd.s32 $0x40, s4  }
0x14b: {  	[tilespmem:s4+$0xFFFFFFE0] =	vst v2  }
0x14c: {  	v2 =	vld [tilespmem:s7+$0x10];
	_ =	sdelay $0x4  }
0x14d: {  	[tilespmem:s4+$0xFFFFFFF0] =	vst v2  }
0x14e: {  	v2 =	vld [tilespmem:s7+$0x20];
	_ =	sdelay $0x4  }
0x14f: {  	[tilespmem:s4+$0x0] =	vst v2  }
0x150: {  	v2 =	vld [tilespmem:s7+$0x30]  }
.Ltmp4:
0x151: {  	(pc) =	sbr.rel @p0 .LBB2_10-.Ltmp4, $2  }
0x152: {  	_ =	sdelay $0x2  }
0x153: {  	s7 =	sshra.s32 s8, $0x2;
	s8 =	sadd.s32 $0x104, s8;
	[tilespmem:s4+$0x10] =	vst v2  }
0x154: {  	v2 =	vld [tilespmem:s7+$0x0];
	_ =	sdelay $0x3  }
0x155: {  	s4 =	sadd.s32 $0x40, s4  }
0x156: {  	[tilespmem:s4+$0xFFFFFFE0] =	vst v2  }
0x157: {  	v2 =	vld [tilespmem:s7+$0x10];
	_ =	sdelay $0x4  }
0x158: {  	[tilespmem:s4+$0xFFFFFFF0] =	vst v2  }
0x159: {  	v2 =	vld [tilespmem:s7+$0x20];
	_ =	sdelay $0x4  }
0x15a: {  	[tilespmem:s4+$0x0] =	vst v2  }
0x15b: {  	v2 =	vld [tilespmem:s7+$0x30];
	_ =	sdelay $0x1  }
0x15c: {  	p0 =	sgt.u32 s29, $0xC2  }
0x15d: {  	p1 =	sne.s32 @p0 s29, $0xC3  }
0x15e: {  	p1 =	por p1, !p0  }
0x15f: {  	[tilespmem:s4+$0x10] =	vst v2;
	s4 =	simm.s32 @!p1 $0x0  }
0x160: {  	[hbm4b:s14+s4] =	stream.linear.scatter @!p1 [tilespmem:s4], [sflag:$0x2], $0x5000, $0x38;
	[tilespmem:$0x12A00] =	vst v63  }
0x161: {  	s4 =	simm.s32 @!p1 $0x2  }
0x162: {  	_ =	swait.ge @!p1 [sflag:s4], $0x5000  }
0x163: {  	[sflag:s4] =	ssyncset.done @!p1 $0x0  }
0x164: {  	s28 =	sadd.s32 $0x1, s28;
	s7 =	sshll.u32 @!p0 s29, $0xD;
	[sflag:s4] =	ssyncadd.s32 @!p1 $0xFFFFB000  }
0x165: {  	s4 =	sadd.s32 @!p0 s9, s7;
	s7 =	simm.s32 @!p0 $0x0;
	p1 =	sne.s32 s28, $0x7  }
0x166: {  	[hbm4b:s4+s7] =	stream.linear.scatter @!p0 [tilespmem:s7], [sflag:$0x3], $0x10000, $0x38;
	[tilespmem:$0x12A00] =	vst v63  }
.Ltmp5:
0x167: {  	_ = 	snop;
	(pc) =	sbr.rel @p1 .LBB2_2-.Ltmp5, $4  }
0x168: {  	s4 =	simm.s32 @!p0 $0x3  }
0x169: {  	_ =	swait.ge @!p0 [sflag:s4], $0x10000  }
0x16a: {  	[sflag:s4] =	ssyncset.done @!p0 $0x0  }
0x16b: {  	[sflag:s4] =	ssyncadd.s32 @!p0 $0xFFFF0000  }
0x16c: {  	s7 =	rddreg [dreg:$0xb]  }
0x16d: {  	s4 =	rddreg [dreg:$0xa];
	s7 =	sadd.s32 $0x1, s7  }
0x16e: {  	p0 =	sne.s32 s7, s4  }
.Ltmp6:
0x16f: {  	_ = 	snop;
	(pc) =	sbr.rel @p0 .LBB2_1-.Ltmp6, $1  }
0x170: {  	_ =	sdelay $0x3  }
0x171: {  	_ =	sfence.sel $0x180000  }
0x172: {  	[bflag:$0x0] =	sbarrier.arrive $0xFFFF  }
0x173: {  	_ =	strace $0x90000047  }
0x174: {  	s0 =	stileid.u32;
	[bflag:$0x2] =	sbarrier.arrive $0xFFFF  }
0x175: {  	p0 =	sne.s32 s0, $0x0;
	s0 =	rddreg [dreg:$0x9]  }
0x176: {  	s0 =	sadd.s32 @!p0 $0x100000, s0  }
0x177: {  	[sflag:s0] =	ssyncadd.tile.s32 @!p0 $0x1;
	_ =	shalt  }
.Lfunc_end2:
_tile_overlayer_lowered:
.L_overlay_start_2:
0x178: {  	(tag) =	ssettag $0x2  }
0x179: {  	s0 =	rddreg [dreg:$0x0];
	s2 =	stileid.u32  }
0x17a: {  	s1 =	rddreg [dreg:$0x1];
	p0 =	sne.s32 s2, $0x0  }
0x17b: {  	s3 =	rddreg [dreg:$0x2];
	[bflag:$0x3] =	sbarrier.arrive $0xFFFF;
	s2 =	simm.s32 @!p0 $0x1C02  }
0x17c: {  	[timem:s3], [sflag:s2] =	dma.local @!p0 [hbm:s0], s1  }
0x17d: {  	s0 =	simm.s32 @!p0 $0x2  }
0x17e: {  	_ =	swait.ge @!p0 [sflag:s0], s1  }
0x17f: {  	s1 =	ssub.s32 @!p0 $0x0, s1;
	[sflag:s0] =	ssyncset.done @!p0 $0x0  }
0x180: {  	[sflag:s0] =	ssyncadd.s32 @!p0 s1  }
0x181: {  	[bflag:$0x3] =	sbarrier.arrive $0xFFFF  }
0x182: {  	_ =	shalt  }

</sc_bundles>
